<compile_context>
chip_gen: v7x
topology: tpu7x:2x2x1
jax: 0.10.2.dev20260603
libtpu: 0.0.44.dev20260713+nightly
codegen_flags: <defaults>
</compile_context>

<pallas_src>
import functools

import jax
import jax.numpy as jnp
from jax.experimental import pallas as pl

EPS = 1e-6
NS = 0.2
K = 20
ROWS = 1024


def _topk_kernel(pd_ref, idx_ref, *, n):
    v = pd_ref[0]
    iota = jax.lax.broadcasted_iota(jnp.int32, v.shape, 1)
    neg = jnp.float32(-jnp.inf)
    for j in range(K):
        m = jnp.max(v, axis=1, keepdims=True)
        cand = jnp.where(v == m, iota, n)
        ij = jnp.min(cand, axis=1)
        idx_ref[0, :, j] = ij
        v = jnp.where(iota == ij[:, None], neg, v)


def _knn(xf, k):
    inner = -2.0 * jnp.einsum('bcn,bcm->bnm', xf, xf)
    xx = jnp.sum(xf * xf, axis=1, keepdims=True)
    pd = -xx - inner - jnp.transpose(xx, (0, 2, 1))
    b, n, _ = pd.shape
    return pl.pallas_call(
        functools.partial(_topk_kernel, n=n),
        grid=(b, n // ROWS),
        in_specs=[pl.BlockSpec((1, ROWS, n), lambda i, r: (i, r, 0))],
        out_specs=pl.BlockSpec((1, ROWS, K), lambda i, r: (i, r, 0)),
        out_shape=jax.ShapeDtypeStruct((b, n, K), jnp.int32),
    )(pd)


def _get_graph_feature(x, k):
    b, nf, _, n = x.shape
    xf = x.reshape(b, nf * 3, n)
    idx = _knn(xf, k)
    xt = jnp.transpose(x, (0, 3, 1, 2))
    feat = jax.vmap(lambda xb, ib: xb[ib])(xt, idx)
    xc = xt[:, :, None, :, :]
    out = jnp.concatenate([feat - xc, jnp.broadcast_to(xc, feat.shape)], axis=3)
    return jnp.transpose(out, (0, 3, 4, 1, 2))


def _vn_bn(x):
    norm = jnp.sqrt(jnp.sum(x * x, axis=2)) + EPS
    axes = (0,) + tuple(range(2, norm.ndim))
    mean = jnp.mean(norm, axis=axes, keepdims=True)
    var = jnp.var(norm, axis=axes, keepdims=True)
    nbn = (norm - mean) / jnp.sqrt(var + 1e-5)
    return x / jnp.expand_dims(norm, 2) * jnp.expand_dims(nbn, 2)


def _vn_lrelu(x, Wf, Wd):
    p = jnp.einsum('oi,bi...->bo...', Wf, x)
    p = _vn_bn(p)
    d = jnp.einsum('oi,bi...->bo...', Wd, x)
    dot = jnp.sum(p * d, axis=2, keepdims=True)
    mask = (dot >= 0).astype(x.dtype)
    dns = jnp.sum(d * d, axis=2, keepdims=True)
    return NS * p + (1.0 - NS) * (mask * p + (1.0 - mask) * (p - dot / (dns + EPS) * d))


def _bn_flat(x):
    m = jnp.mean(x, axis=0, keepdims=True)
    v = jnp.var(x, axis=0, keepdims=True)
    return (x - m) / jnp.sqrt(v + 1e-5)


def kernel(x, Wf1, Wd1, Wf2, Wd2, Wf3, Wd3, Wf4, Wd4, Wf5, Wd5, Ws1f, Ws1d, Ws2f, Ws2d, Wstd, W1, b1, W2, b2, W3, b3, equiv, mix):
    b, _, n = x.shape
    h = x[:, None, :, :]
    h = _get_graph_feature(h, K)
    h = _vn_lrelu(h, Wf1, Wd1)
    x1 = jnp.mean(h, axis=-1)
    h = _get_graph_feature(x1, K)
    h = _vn_lrelu(h, Wf2, Wd2)
    x2 = jnp.mean(h, axis=-1)
    h = _get_graph_feature(x2, K)
    h = _vn_lrelu(h, Wf3, Wd3)
    x3 = jnp.mean(h, axis=-1)
    h = _get_graph_feature(x3, K)
    h = _vn_lrelu(h, Wf4, Wd4)
    x4 = jnp.mean(h, axis=-1)
    h = jnp.concatenate([x1, x2, x3, x4], axis=1)
    h = _vn_lrelu(h, Wf5, Wd5)
    hm = jnp.broadcast_to(jnp.mean(h, axis=-1, keepdims=True), h.shape)
    h = jnp.concatenate([h, hm], axis=1)
    z = _vn_lrelu(h, Ws1f, Ws1d)
    z = _vn_lrelu(z, Ws2f, Ws2d)
    z = jnp.einsum('oi,bi...->bo...', Wstd, z)
    z = jnp.swapaxes(z, 1, 2)
    hs = jnp.einsum('bijm,bjkm->bikm', h, z)
    hs = hs.reshape(b, -1, n)
    f1 = jnp.max(hs, axis=-1)
    f2 = jnp.mean(hs, axis=-1)
    f = jnp.concatenate([f1, f2], axis=1)
    f = jax.nn.leaky_relu(_bn_flat(f @ W1.T + b1), NS)
    f = jax.nn.leaky_relu(_bn_flat(f @ W2.T + b2), NS)
    return f @ W3.T + b3

# --- scband reference (transcript-rebuilt; emitter-appended) ---
"""Pipeline reference for scband-eqcnn-cls-85383949844895 (READ-ONLY COPY).

The authoritative reference and input builder live on the scoring server;
editing this copy changes nothing except your own understanding.
"""

import jax, jax.numpy as jnp
import numpy as np

EPS = 1e-6
NS = 0.2
K = 20

def knn(xf, k):
    inner = -2.0 * jnp.einsum('bcn,bcm->bnm', xf, xf)
    xx = jnp.sum(xf * xf, axis=1, keepdims=True)
    pd = -xx - inner - jnp.transpose(xx, (0, 2, 1))
    return jax.lax.top_k(pd, k)[1]

def get_graph_feature(x, k):
    B, nf, _, N = x.shape
    xf = x.reshape(B, nf * 3, N)
    idx = knn(xf, k)
    xt = jnp.transpose(x, (0, 3, 1, 2))
    feat = jax.vmap(lambda xb, ib: xb[ib])(xt, idx)
    xc = xt[:, :, None, :, :]
    out = jnp.concatenate([feat - xc, jnp.broadcast_to(xc, feat.shape)], axis=3)
    return jnp.transpose(out, (0, 3, 4, 1, 2))

def vn_bn(x):
    norm = jnp.sqrt(jnp.sum(x * x, axis=2)) + EPS
    axes = (0,) + tuple(range(2, norm.ndim))
    mean = jnp.mean(norm, axis=axes, keepdims=True)
    var = jnp.var(norm, axis=axes, keepdims=True)
    nbn = (norm - mean) / jnp.sqrt(var + 1e-5)
    return x / jnp.expand_dims(norm, 2) * jnp.expand_dims(nbn, 2)

def vn_lrelu(x, Wf, Wd):
    p = jnp.einsum('oi,bi...->bo...', Wf, x)
    p = vn_bn(p)
    d = jnp.einsum('oi,bi...->bo...', Wd, x)
    dot = jnp.sum(p * d, axis=2, keepdims=True)
    mask = (dot >= 0).astype(x.dtype)
    dns = jnp.sum(d * d, axis=2, keepdims=True)
    return NS * p + (1.0 - NS) * (mask * p + (1.0 - mask) * (p - dot / (dns + EPS) * d))

def bn_flat(x):
    m = jnp.mean(x, axis=0, keepdims=True)
    v = jnp.var(x, axis=0, keepdims=True)
    return (x - m) / jnp.sqrt(v + 1e-5)

def _forward(x, Wf1, Wd1, Wf2, Wd2, Wf3, Wd3, Wf4, Wd4, Wf5, Wd5, Ws1f, Ws1d, Ws2f, Ws2d, Wstd, W1, b1, W2, b2, W3, b3):
    B, _, N = x.shape
    h = x[:, None, :, :]
    h = get_graph_feature(h, K)
    h = vn_lrelu(h, Wf1, Wd1)
    x1 = jnp.mean(h, axis=-1)
    h = get_graph_feature(x1, K)
    h = vn_lrelu(h, Wf2, Wd2)
    x2 = jnp.mean(h, axis=-1)
    h = get_graph_feature(x2, K)
    h = vn_lrelu(h, Wf3, Wd3)
    x3 = jnp.mean(h, axis=-1)
    h = get_graph_feature(x3, K)
    h = vn_lrelu(h, Wf4, Wd4)
    x4 = jnp.mean(h, axis=-1)
    h = jnp.concatenate([x1, x2, x3, x4], axis=1)
    h = vn_lrelu(h, Wf5, Wd5)
    hm = jnp.broadcast_to(jnp.mean(h, axis=-1, keepdims=True), h.shape)
    h = jnp.concatenate([h, hm], axis=1)
    z = vn_lrelu(h, Ws1f, Ws1d)
    z = vn_lrelu(z, Ws2f, Ws2d)
    z = jnp.einsum('oi,bi...->bo...', Wstd, z)
    z = jnp.swapaxes(z, 1, 2)
    hs = jnp.einsum('bijm,bjkm->bikm', h, z)
    hs = hs.reshape(B, -1, N)
    f1 = jnp.max(hs, axis=-1)
    f2 = jnp.mean(hs, axis=-1)
    f = jnp.concatenate([f1, f2], axis=1)
    f = jax.nn.leaky_relu(bn_flat(f @ W1.T + b1), NS)
    f = jax.nn.leaky_relu(bn_flat(f @ W2.T + b2), NS)
    return f @ W3.T + b3

def setup_inputs(seed: int = 0):
    key = jax.random.key(seed)
    ks = jax.random.split(key, 20)
    def w(i, shape):
        return (jax.random.normal(ks[i], shape, dtype=jnp.float32) / np.sqrt(shape[-1])).astype(jnp.float32)
    return {
        'x': jax.random.normal(ks[0], (8, 3, 1024), dtype=jnp.float32),
        'Wf1': w(1, (21, 2)), 'Wd1': w(2, (21, 2)),
        'Wf2': w(3, (21, 42)), 'Wd2': w(4, (21, 42)),
        'Wf3': w(5, (42, 42)), 'Wd3': w(6, (42, 42)),
        'Wf4': w(7, (85, 84)), 'Wd4': w(8, (85, 84)),
        'Wf5': w(9, (341, 169)), 'Wd5': w(10, (1, 169)),
        'Ws1f': w(11, (341, 682)), 'Ws1d': w(12, (341, 682)),
        'Ws2f': w(13, (170, 341)), 'Ws2d': w(14, (170, 341)),
        'Wstd': w(15, (3, 170)),
        'W1': w(16, (512, 4092)), 'b1': jnp.zeros((512,), jnp.float32),
        'W2': w(17, (256, 512)), 'b2': jnp.zeros((256,), jnp.float32),
        'W3': w(18, (40, 256)), 'b3': jnp.zeros((40,), jnp.float32),
        'equiv': 1,
        'mix': 0,
    }

def reference(x, Wf1, Wd1, Wf2, Wd2, Wf3, Wd3, Wf4, Wd4, Wf5, Wd5, Ws1f, Ws1d, Ws2f, Ws2d, Wstd, W1, b1, W2, b2, W3, b3, equiv, mix):
    # equiv=1 selects the equivariant branch (dense mixing weights unused); mix is inert.
    return _forward(x, Wf1, Wd1, Wf2, Wd2, Wf3, Wd3, Wf4, Wd4, Wf5, Wd5, Ws1f, Ws1d, Ws2f, Ws2d, Wstd, W1, b1, W2, b2, W3, b3)

if __name__ == "__main__":
    import jax
    _d = setup_inputs()
    print(jax.jit(kernel)(*tuple(_d.values())))

</pallas_src>

<mosaic_0001>
module attributes {stable_mosaic.version = 14 : i64} {
  func.func @_topk_kernel(%arg0: i32, %arg1: i32, %arg2: memref<1x1024x1024xf32, #tpu.memory_space<vmem>>, %arg3: memref<1x1024x20xi32, #tpu.memory_space<vmem>>) attributes {dimension_semantics = [#tpu.dimension_semantics<arbitrary>, #tpu.dimension_semantics<arbitrary>], iteration_bounds = array<i64: 8, 1>, scalar_prefetch = 0 : i64, scratch_operands = 0 : i64, tpu.core_type = #tpu.core_type<tc>, window_params = [{transform_indices = @transform_0, window_bounds = array<i64: 1, 1024, 1024>}, {transform_indices = @transform_1, window_bounds = array<i64: 1, 1024, 20>}]} {
    %get3A = arith.constant 0 : index
    %get3A_0 = arith.constant 0 : index
    %get3A_1 = arith.constant 0 : index
    %get3A_2 = vector.load %arg2[%get3A, %get3A_0, %get3A_1] : memref<1x1024x1024xf32, #tpu.memory_space<vmem>>, vector<1x1024x1024xf32>
    %get3A_3 = vector.shape_cast %get3A_2 : vector<1x1024x1024xf32> to vector<1024x1024xf32>
    %iota3A = tpu.iota {dimensions = array<i32: 1>} : vector<1024x1024xi32>
    %reduce_max3A = arith.constant dense<0xFF800000> : vector<1024xf32>
    %reduce_max3A_4 = vector.multi_reduction <maximumf>, %get3A_3, %reduce_max3A [1] : vector<1024x1024xf32> to vector<1024xf32>
    %broadcast_in_dim3A = vector.shape_cast %reduce_max3A_4 : vector<1024xf32> to vector<1024x1xf32>
    %eq3A = vector.broadcast %broadcast_in_dim3A : vector<1024x1xf32> to vector<1024x1024xf32>
    %eq3A_5 = arith.cmpf oeq, %get3A_3, %eq3A : vector<1024x1024xf32>
    %jit3A = arith.constant 1024 : i32
    %broadcast_in_dim3A_6 = vector.broadcast %jit3A : i32 to vector<1024x1024xi32>
    %select_n3A = arith.select %eq3A_5, %iota3A, %broadcast_in_dim3A_6 : vector<1024x1024xi1>, vector<1024x1024xi32>
    %reduce_min3A = arith.constant dense<2147483647> : vector<1024xi32>
    %reduce_min3A_7 = vector.multi_reduction <minsi>, %select_n3A, %reduce_min3A [1] : vector<1024x1024xi32> to vector<1024xi32>
    %swap3A = arith.constant 0 : index
    %swap3A_8 = arith.constant 0 : index
    %swap3A_9 = arith.constant 0 : index
    %swap3A_10 = vector.load %arg3[%swap3A, %swap3A_8, %swap3A_9] : memref<1x1024x20xi32, #tpu.memory_space<vmem>>, vector<1x1024x1xi32>
    %swap3A_11 = vector.shape_cast %swap3A_10 : vector<1x1024x1xi32> to vector<1024xi32>
    %swap3A_12 = vector.shape_cast %reduce_min3A_7 : vector<1024xi32> to vector<1x1024x1xi32>
    tpu.vector_store %arg3[%swap3A, %swap3A_8, %swap3A_9], %swap3A_12 {strides = array<i32>} : memref<1x1024x20xi32, #tpu.memory_space<vmem>>, vector<1x1024x1xi32>,
    %broadcast_in_dim3A_13 = vector.shape_cast %reduce_min3A_7 : vector<1024xi32> to vector<1024x1xi32>
    %eq3A_14 = vector.broadcast %broadcast_in_dim3A_13 : vector<1024x1xi32> to vector<1024x1024xi32>
    %eq3A_15 = arith.cmpi eq, %iota3A, %eq3A_14 : vector<1024x1024xi32>
    %jit3A_16 = arith.constant 0xFF800000 : f32
    %broadcast_in_dim3A_17 = vector.broadcast %jit3A_16 : f32 to vector<1024x1024xf32>
    %select_n3A_18 = arith.select %eq3A_15, %broadcast_in_dim3A_17, %get3A_3 : vector<1024x1024xi1>, vector<1024x1024xf32>
    %reduce_max3A_19 = arith.constant dense<0xFF800000> : vector<1024xf32>
    %reduce_max3A_20 = vector.multi_reduction <maximumf>, %select_n3A_18, %reduce_max3A_19 [1] : vector<1024x1024xf32> to vector<1024xf32>
    %broadcast_in_dim3A_21 = vector.shape_cast %reduce_max3A_20 : vector<1024xf32> to vector<1024x1xf32>
    %eq3A_22 = vector.broadcast %broadcast_in_dim3A_21 : vector<1024x1xf32> to vector<1024x1024xf32>
    %eq3A_23 = arith.cmpf oeq, %select_n3A_18, %eq3A_22 : vector<1024x1024xf32>
    %jit3A_24 = arith.constant 1024 : i32
    %broadcast_in_dim3A_25 = vector.broadcast %jit3A_24 : i32 to vector<1024x1024xi32>
    %select_n3A_26 = arith.select %eq3A_23, %iota3A, %broadcast_in_dim3A_25 : vector<1024x1024xi1>, vector<1024x1024xi32>
    %reduce_min3A_27 = arith.constant dense<2147483647> : vector<1024xi32>
    %reduce_min3A_28 = vector.multi_reduction <minsi>, %select_n3A_26, %reduce_min3A_27 [1] : vector<1024x1024xi32> to vector<1024xi32>
    %swap3A_29 = arith.constant 0 : index
    %swap3A_30 = arith.constant 0 : index
    %swap3A_31 = arith.constant 1 : index
    %swap3A_32 = vector.load %arg3[%swap3A_29, %swap3A_30, %swap3A_31] : memref<1x1024x20xi32, #tpu.memory_space<vmem>>, vector<1x1024x1xi32>
    %swap3A_33 = vector.shape_cast %swap3A_32 : vector<1x1024x1xi32> to vector<1024xi32>
    %swap3A_34 = vector.shape_cast %reduce_min3A_28 : vector<1024xi32> to vector<1x1024x1xi32>
    tpu.vector_store %arg3[%swap3A_29, %swap3A_30, %swap3A_31], %swap3A_34 {strides = array<i32>} : memref<1x1024x20xi32, #tpu.memory_space<vmem>>, vector<1x1024x1xi32>,
    %broadcast_in_dim3A_35 = vector.shape_cast %reduce_min3A_28 : vector<1024xi32> to vector<1024x1xi32>
    %eq3A_36 = vector.broadcast %broadcast_in_dim3A_35 : vector<1024x1xi32> to vector<1024x1024xi32>
    %eq3A_37 = arith.cmpi eq, %iota3A, %eq3A_36 : vector<1024x1024xi32>
    %jit3A_38 = arith.constant 0xFF800000 : f32
    %broadcast_in_dim3A_39 = vector.broadcast %jit3A_38 : f32 to vector<1024x1024xf32>
    %select_n3A_40 = arith.select %eq3A_37, %broadcast_in_dim3A_39, %select_n3A_18 : vector<1024x1024xi1>, vector<1024x1024xf32>
    %reduce_max3A_41 = arith.constant dense<0xFF800000> : vector<1024xf32>
    %reduce_max3A_42 = vector.multi_reduction <maximumf>, %select_n3A_40, %reduce_max3A_41 [1] : vector<1024x1024xf32> to vector<1024xf32>
    %broadcast_in_dim3A_43 = vector.shape_cast %reduce_max3A_42 : vector<1024xf32> to vector<1024x1xf32>
    %eq3A_44 = vector.broadcast %broadcast_in_dim3A_43 : vector<1024x1xf32> to vector<1024x1024xf32>
    %eq3A_45 = arith.cmpf oeq, %select_n3A_40, %eq3A_44 : vector<1024x1024xf32>
    %jit3A_46 = arith.constant 1024 : i32
    %broadcast_in_dim3A_47 = vector.broadcast %jit3A_46 : i32 to vector<1024x1024xi32>
    %select_n3A_48 = arith.select %eq3A_45, %iota3A, %broadcast_in_dim3A_47 : vector<1024x1024xi1>, vector<1024x1024xi32>
    %reduce_min3A_49 = arith.constant dense<2147483647> : vector<1024xi32>
    %reduce_min3A_50 = vector.multi_reduction <minsi>, %select_n3A_48, %reduce_min3A_49 [1] : vector<1024x1024xi32> to vector<1024xi32>
    %swap3A_51 = arith.constant 0 : index
    %swap3A_52 = arith.constant 0 : index
    %swap3A_53 = arith.constant 2 : index
    %swap3A_54 = vector.load %arg3[%swap3A_51, %swap3A_52, %swap3A_53] : memref<1x1024x20xi32, #tpu.memory_space<vmem>>, vector<1x1024x1xi32>
    %swap3A_55 = vector.shape_cast %swap3A_54 : vector<1x1024x1xi32> to vector<1024xi32>
    %swap3A_56 = vector.shape_cast %reduce_min3A_50 : vector<1024xi32> to vector<1x1024x1xi32>
    tpu.vector_store %arg3[%swap3A_51, %swap3A_52, %swap3A_53], %swap3A_56 {strides = array<i32>} : memref<1x1024x20xi32, #tpu.memory_space<vmem>>, vector<1x1024x1xi32>,
    %broadcast_in_dim3A_57 = vector.shape_cast %reduce_min3A_50 : vector<1024xi32> to vector<1024x1xi32>
    %eq3A_58 = vector.broadcast %broadcast_in_dim3A_57 : vector<1024x1xi32> to vector<1024x1024xi32>
    %eq3A_59 = arith.cmpi eq, %iota3A, %eq3A_58 : vector<1024x1024xi32>
    %jit3A_60 = arith.constant 0xFF800000 : f32
    %broadcast_in_dim3A_61 = vector.broadcast %jit3A_60 : f32 to vector<1024x1024xf32>
    %select_n3A_62 = arith.select %eq3A_59, %broadcast_in_dim3A_61, %select_n3A_40 : vector<1024x1024xi1>, vector<1024x1024xf32>
    %reduce_max3A_63 = arith.constant dense<0xFF800000> : vector<1024xf32>
    %reduce_max3A_64 = vector.multi_reduction <maximumf>, %select_n3A_62, %reduce_max3A_63 [1] : vector<1024x1024xf32> to vector<1024xf32>
    %broadcast_in_dim3A_65 = vector.shape_cast %reduce_max3A_64 : vector<1024xf32> to vector<1024x1xf32>
    %eq3A_66 = vector.broadcast %broadcast_in_dim3A_65 : vector<1024x1xf32> to vector<1024x1024xf32>
    %eq3A_67 = arith.cmpf oeq, %select_n3A_62, %eq3A_66 : vector<1024x1024xf32>
    %jit3A_68 = arith.constant 1024 : i32
    %broadcast_in_dim3A_69 = vector.broadcast %jit3A_68 : i32 to vector<1024x1024xi32>
    %select_n3A_70 = arith.select %eq3A_67, %iota3A, %broadcast_in_dim3A_69 : vector<1024x1024xi1>, vector<1024x1024xi32>
    %reduce_min3A_71 = arith.constant dense<2147483647> : vector<1024xi32>
    %reduce_min3A_72 = vector.multi_reduction <minsi>, %select_n3A_70, %reduce_min3A_71 [1] : vector<1024x1024xi32> to vector<1024xi32>
    %swap3A_73 = arith.constant 0 : index
    %swap3A_74 = arith.constant 0 : index
    %swap3A_75 = arith.constant 3 : index
    %swap3A_76 = vector.load %arg3[%swap3A_73, %swap3A_74, %swap3A_75] : memref<1x1024x20xi32, #tpu.memory_space<vmem>>, vector<1x1024x1xi32>
    %swap3A_77 = vector.shape_cast %swap3A_76 : vector<1x1024x1xi32> to vector<1024xi32>
    %swap3A_78 = vector.shape_cast %reduce_min3A_72 : vector<1024xi32> to vector<1x1024x1xi32>
    tpu.vector_store %arg3[%swap3A_73, %swap3A_74, %swap3A_75], %swap3A_78 {strides = array<i32>} : memref<1x1024x20xi32, #tpu.memory_space<vmem>>, vector<1x1024x1xi32>,
    %broadcast_in_dim3A_79 = vector.shape_cast %reduce_min3A_72 : vector<1024xi32> to vector<1024x1xi32>
    %eq3A_80 = vector.broadcast %broadcast_in_dim3A_79 : vector<1024x1xi32> to vector<1024x1024xi32>
    %eq3A_81 = arith.cmpi eq, %iota3A, %eq3A_80 : vector<1024x1024xi32>
    %jit3A_82 = arith.constant 0xFF800000 : f32
    %broadcast_in_dim3A_83 = vector.broadcast %jit3A_82 : f32 to vector<1024x1024xf32>
    %select_n3A_84 = arith.select %eq3A_81, %broadcast_in_dim3A_83, %select_n3A_62 : vector<1024x1024xi1>, vector<1024x1024xf32>
    %reduce_max3A_85 = arith.constant dense<0xFF800000> : vector<1024xf32>
    %reduce_max3A_86 = vector.multi_reduction <maximumf>, %select_n3A_84, %reduce_max3A_85 [1] : vector<1024x1024xf32> to vector<1024xf32>
    %broadcast_in_dim3A_87 = vector.shape_cast %reduce_max3A_86 : vector<1024xf32> to vector<1024x1xf32>
    %eq3A_88 = vector.broadcast %broadcast_in_dim3A_87 : vector<1024x1xf32> to vector<1024x1024xf32>
    %eq3A_89 = arith.cmpf oeq, %select_n3A_84, %eq3A_88 : vector<1024x1024xf32>
    %jit3A_90 = arith.constant 1024 : i32
    %broadcast_in_dim3A_91 = vector.broadcast %jit3A_90 : i32 to vector<1024x1024xi32>
    %select_n3A_92 = arith.select %eq3A_89, %iota3A, %broadcast_in_dim3A_91 : vector<1024x1024xi1>, vector<1024x1024xi32>
    %reduce_min3A_93 = arith.constant dense<2147483647> : vector<1024xi32>
    %reduce_min3A_94 = vector.multi_reduction <minsi>, %select_n3A_92, %reduce_min3A_93 [1] : vector<1024x1024xi32> to vector<1024xi32>
    %swap3A_95 = arith.constant 0 : index
    %swap3A_96 = arith.constant 0 : index
    %swap3A_97 = arith.constant 4 : index
    %swap3A_98 = vector.load %arg3[%swap3A_95, %swap3A_96, %swap3A_97] : memref<1x1024x20xi32, #tpu.memory_space<vmem>>, vector<1x1024x1xi32>
    %swap3A_99 = vector.shape_cast %swap3A_98 : vector<1x1024x1xi32> to vector<1024xi32>
    %swap3A_100 = vector.shape_cast %reduce_min3A_94 : vector<1024xi32> to vector<1x1024x1xi32>
    tpu.vector_store %arg3[%swap3A_95, %swap3A_96, %swap3A_97], %swap3A_100 {strides = array<i32>} : memref<1x1024x20xi32, #tpu.memory_space<vmem>>, vector<1x1024x1xi32>,
    %broadcast_in_dim3A_101 = vector.shape_cast %reduce_min3A_94 : vector<1024xi32> to vector<1024x1xi32>
    %eq3A_102 = vector.broadcast %broadcast_in_dim3A_101 : vector<1024x1xi32> to vector<1024x1024xi32>
    %eq3A_103 = arith.cmpi eq, %iota3A, %eq3A_102 : vector<1024x1024xi32>
    %jit3A_104 = arith.constant 0xFF800000 : f32
    %broadcast_in_dim3A_105 = vector.broadcast %jit3A_104 : f32 to vector<1024x1024xf32>
    %select_n3A_106 = arith.select %eq3A_103, %broadcast_in_dim3A_105, %select_n3A_84 : vector<1024x1024xi1>, vector<1024x1024xf32>
    %reduce_max3A_107 = arith.constant dense<0xFF800000> : vector<1024xf32>
    %reduce_max3A_108 = vector.multi_reduction <maximumf>, %select_n3A_106, %reduce_max3A_107 [1] : vector<1024x1024xf32> to vector<1024xf32>
    %broadcast_in_dim3A_109 = vector.shape_cast %reduce_max3A_108 : vector<1024xf32> to vector<1024x1xf32>
    %eq3A_110 = vector.broadcast %broadcast_in_dim3A_109 : vector<1024x1xf32> to vector<1024x1024xf32>
    %eq3A_111 = arith.cmpf oeq, %select_n3A_106, %eq3A_110 : vector<1024x1024xf32>
    %jit3A_112 = arith.constant 1024 : i32
    %broadcast_in_dim3A_113 = vector.broadcast %jit3A_112 : i32 to vector<1024x1024xi32>
    %select_n3A_114 = arith.select %eq3A_111, %iota3A, %broadcast_in_dim3A_113 : vector<1024x1024xi1>, vector<1024x1024xi32>
    %reduce_min3A_115 = arith.constant dense<2147483647> : vector<1024xi32>
    %reduce_min3A_116 = vector.multi_reduction <minsi>, %select_n3A_114, %reduce_min3A_115 [1] : vector<1024x1024xi32> to vector<1024xi32>
    %swap3A_117 = arith.constant 0 : index
    %swap3A_118 = arith.constant 0 : index
    %swap3A_119 = arith.constant 5 : index
    %swap3A_120 = vector.load %arg3[%swap3A_117, %swap3A_118, %swap3A_119] : memref<1x1024x20xi32, #tpu.memory_space<vmem>>, vector<1x1024x1xi32>
    %swap3A_121 = vector.shape_cast %swap3A_120 : vector<1x1024x1xi32> to vector<1024xi32>
    %swap3A_122 = vector.shape_cast %reduce_min3A_116 : vector<1024xi32> to vector<1x1024x1xi32>
    tpu.vector_store %arg3[%swap3A_117, %swap3A_118, %swap3A_119], %swap3A_122 {strides = array<i32>} : memref<1x1024x20xi32, #tpu.memory_space<vmem>>, vector<1x1024x1xi32>,
    %broadcast_in_dim3A_123 = vector.shape_cast %reduce_min3A_116 : vector<1024xi32> to vector<1024x1xi32>
    %eq3A_124 = vector.broadcast %broadcast_in_dim3A_123 : vector<1024x1xi32> to vector<1024x1024xi32>
    %eq3A_125 = arith.cmpi eq, %iota3A, %eq3A_124 : vector<1024x1024xi32>
    %jit3A_126 = arith.constant 0xFF800000 : f32
    %broadcast_in_dim3A_127 = vector.broadcast %jit3A_126 : f32 to vector<1024x1024xf32>
    %select_n3A_128 = arith.select %eq3A_125, %broadcast_in_dim3A_127, %select_n3A_106 : vector<1024x1024xi1>, vector<1024x1024xf32>
    %reduce_max3A_129 = arith.constant dense<0xFF800000> : vector<1024xf32>
    %reduce_max3A_130 = vector.multi_reduction <maximumf>, %select_n3A_128, %reduce_max3A_129 [1] : vector<1024x1024xf32> to vector<1024xf32>
    %broadcast_in_dim3A_131 = vector.shape_cast %reduce_max3A_130 : vector<1024xf32> to vector<1024x1xf32>
    %eq3A_132 = vector.broadcast %broadcast_in_dim3A_131 : vector<1024x1xf32> to vector<1024x1024xf32>
    %eq3A_133 = arith.cmpf oeq, %select_n3A_128, %eq3A_132 : vector<1024x1024xf32>
    %jit3A_134 = arith.constant 1024 : i32
    %broadcast_in_dim3A_135 = vector.broadcast %jit3A_134 : i32 to vector<1024x1024xi32>
    %select_n3A_136 = arith.select %eq3A_133, %iota3A, %broadcast_in_dim3A_135 : vector<1024x1024xi1>, vector<1024x1024xi32>
    %reduce_min3A_137 = arith.constant dense<2147483647> : vector<1024xi32>
    %reduce_min3A_138 = vector.multi_reduction <minsi>, %select_n3A_136, %reduce_min3A_137 [1] : vector<1024x1024xi32> to vector<1024xi32>
    %swap3A_139 = arith.constant 0 : index
    %swap3A_140 = arith.constant 0 : index
    %swap3A_141 = arith.constant 6 : index
    %swap3A_142 = vector.load %arg3[%swap3A_139, %swap3A_140, %swap3A_141] : memref<1x1024x20xi32, #tpu.memory_space<vmem>>, vector<1x1024x1xi32>
    %swap3A_143 = vector.shape_cast %swap3A_142 : vector<1x1024x1xi32> to vector<1024xi32>
    %swap3A_144 = vector.shape_cast %reduce_min3A_138 : vector<1024xi32> to vector<1x1024x1xi32>
    tpu.vector_store %arg3[%swap3A_139, %swap3A_140, %swap3A_141], %swap3A_144 {strides = array<i32>} : memref<1x1024x20xi32, #tpu.memory_space<vmem>>, vector<1x1024x1xi32>,
    %broadcast_in_dim3A_145 = vector.shape_cast %reduce_min3A_138 : vector<1024xi32> to vector<1024x1xi32>
    %eq3A_146 = vector.broadcast %broadcast_in_dim3A_145 : vector<1024x1xi32> to vector<1024x1024xi32>
    %eq3A_147 = arith.cmpi eq, %iota3A, %eq3A_146 : vector<1024x1024xi32>
    %jit3A_148 = arith.constant 0xFF800000 : f32
    %broadcast_in_dim3A_149 = vector.broadcast %jit3A_148 : f32 to vector<1024x1024xf32>
    %select_n3A_150 = arith.select %eq3A_147, %broadcast_in_dim3A_149, %select_n3A_128 : vector<1024x1024xi1>, vector<1024x1024xf32>
    %reduce_max3A_151 = arith.constant dense<0xFF800000> : vector<1024xf32>
    %reduce_max3A_152 = vector.multi_reduction <maximumf>, %select_n3A_150, %reduce_max3A_151 [1] : vector<1024x1024xf32> to vector<1024xf32>
    %broadcast_in_dim3A_153 = vector.shape_cast %reduce_max3A_152 : vector<1024xf32> to vector<1024x1xf32>
    %eq3A_154 = vector.broadcast %broadcast_in_dim3A_153 : vector<1024x1xf32> to vector<1024x1024xf32>
    %eq3A_155 = arith.cmpf oeq, %select_n3A_150, %eq3A_154 : vector<1024x1024xf32>
    %jit3A_156 = arith.constant 1024 : i32
    %broadcast_in_dim3A_157 = vector.broadcast %jit3A_156 : i32 to vector<1024x1024xi32>
    %select_n3A_158 = arith.select %eq3A_155, %iota3A, %broadcast_in_dim3A_157 : vector<1024x1024xi1>, vector<1024x1024xi32>
    %reduce_min3A_159 = arith.constant dense<2147483647> : vector<1024xi32>
    %reduce_min3A_160 = vector.multi_reduction <minsi>, %select_n3A_158, %reduce_min3A_159 [1] : vector<1024x1024xi32> to vector<1024xi32>
    %swap3A_161 = arith.constant 0 : index
    %swap3A_162 = arith.constant 0 : index
    %swap3A_163 = arith.constant 7 : index
    %swap3A_164 = vector.load %arg3[%swap3A_161, %swap3A_162, %swap3A_163] : memref<1x1024x20xi32, #tpu.memory_space<vmem>>, vector<1x1024x1xi32>
    %swap3A_165 = vector.shape_cast %swap3A_164 : vector<1x1024x1xi32> to vector<1024xi32>
    %swap3A_166 = vector.shape_cast %reduce_min3A_160 : vector<1024xi32> to vector<1x1024x1xi32>
    tpu.vector_store %arg3[%swap3A_161, %swap3A_162, %swap3A_163], %swap3A_166 {strides = array<i32>} : memref<1x1024x20xi32, #tpu.memory_space<vmem>>, vector<1x1024x1xi32>,
    %broadcast_in_dim3A_167 = vector.shape_cast %reduce_min3A_160 : vector<1024xi32> to vector<1024x1xi32>
    %eq3A_168 = vector.broadcast %broadcast_in_dim3A_167 : vector<1024x1xi32> to vector<1024x1024xi32>
    %eq3A_169 = arith.cmpi eq, %iota3A, %eq3A_168 : vector<1024x1024xi32>
    %jit3A_170 = arith.constant 0xFF800000 : f32
    %broadcast_in_dim3A_171 = vector.broadcast %jit3A_170 : f32 to vector<1024x1024xf32>
    %select_n3A_172 = arith.select %eq3A_169, %broadcast_in_dim3A_171, %select_n3A_150 : vector<1024x1024xi1>, vector<1024x1024xf32>
    %reduce_max3A_173 = arith.constant dense<0xFF800000> : vector<1024xf32>
    %reduce_max3A_174 = vector.multi_reduction <maximumf>, %select_n3A_172, %reduce_max3A_173 [1] : vector<1024x1024xf32> to vector<1024xf32>
    %broadcast_in_dim3A_175 = vector.shape_cast %reduce_max3A_174 : vector<1024xf32> to vector<1024x1xf32>
    %eq3A_176 = vector.broadcast %broadcast_in_dim3A_175 : vector<1024x1xf32> to vector<1024x1024xf32>
    %eq3A_177 = arith.cmpf oeq, %select_n3A_172, %eq3A_176 : vector<1024x1024xf32>
    %jit3A_178 = arith.constant 1024 : i32
    %broadcast_in_dim3A_179 = vector.broadcast %jit3A_178 : i32 to vector<1024x1024xi32>
    %select_n3A_180 = arith.select %eq3A_177, %iota3A, %broadcast_in_dim3A_179 : vector<1024x1024xi1>, vector<1024x1024xi32>
    %reduce_min3A_181 = arith.constant dense<2147483647> : vector<1024xi32>
    %reduce_min3A_182 = vector.multi_reduction <minsi>, %select_n3A_180, %reduce_min3A_181 [1] : vector<1024x1024xi32> to vector<1024xi32>
    %swap3A_183 = arith.constant 0 : index
    %swap3A_184 = arith.constant 0 : index
    %swap3A_185 = arith.constant 8 : index
    %swap3A_186 = vector.load %arg3[%swap3A_183, %swap3A_184, %swap3A_185] : memref<1x1024x20xi32, #tpu.memory_space<vmem>>, vector<1x1024x1xi32>
    %swap3A_187 = vector.shape_cast %swap3A_186 : vector<1x1024x1xi32> to vector<1024xi32>
    %swap3A_188 = vector.shape_cast %reduce_min3A_182 : vector<1024xi32> to vector<1x1024x1xi32>
    tpu.vector_store %arg3[%swap3A_183, %swap3A_184, %swap3A_185], %swap3A_188 {strides = array<i32>} : memref<1x1024x20xi32, #tpu.memory_space<vmem>>, vector<1x1024x1xi32>,
    %broadcast_in_dim3A_189 = vector.shape_cast %reduce_min3A_182 : vector<1024xi32> to vector<1024x1xi32>
    %eq3A_190 = vector.broadcast %broadcast_in_dim3A_189 : vector<1024x1xi32> to vector<1024x1024xi32>
    %eq3A_191 = arith.cmpi eq, %iota3A, %eq3A_190 : vector<1024x1024xi32>
    %jit3A_192 = arith.constant 0xFF800000 : f32
    %broadcast_in_dim3A_193 = vector.broadcast %jit3A_192 : f32 to vector<1024x1024xf32>
    %select_n3A_194 = arith.select %eq3A_191, %broadcast_in_dim3A_193, %select_n3A_172 : vector<1024x1024xi1>, vector<1024x1024xf32>
    %reduce_max3A_195 = arith.constant dense<0xFF800000> : vector<1024xf32>
    %reduce_max3A_196 = vector.multi_reduction <maximumf>, %select_n3A_194, %reduce_max3A_195 [1] : vector<1024x1024xf32> to vector<1024xf32>
    %broadcast_in_dim3A_197 = vector.shape_cast %reduce_max3A_196 : vector<1024xf32> to vector<1024x1xf32>
    %eq3A_198 = vector.broadcast %broadcast_in_dim3A_197 : vector<1024x1xf32> to vector<1024x1024xf32>
    %eq3A_199 = arith.cmpf oeq, %select_n3A_194, %eq3A_198 : vector<1024x1024xf32>
    %jit3A_200 = arith.constant 1024 : i32
    %broadcast_in_dim3A_201 = vector.broadcast %jit3A_200 : i32 to vector<1024x1024xi32>
    %select_n3A_202 = arith.select %eq3A_199, %iota3A, %broadcast_in_dim3A_201 : vector<1024x1024xi1>, vector<1024x1024xi32>
    %reduce_min3A_203 = arith.constant dense<2147483647> : vector<1024xi32>
    %reduce_min3A_204 = vector.multi_reduction <minsi>, %select_n3A_202, %reduce_min3A_203 [1] : vector<1024x1024xi32> to vector<1024xi32>
    %swap3A_205 = arith.constant 0 : index
    %swap3A_206 = arith.constant 0 : index
    %swap3A_207 = arith.constant 9 : index
    %swap3A_208 = vector.load %arg3[%swap3A_205, %swap3A_206, %swap3A_207] : memref<1x1024x20xi32, #tpu.memory_space<vmem>>, vector<1x1024x1xi32>
    %swap3A_209 = vector.shape_cast %swap3A_208 : vector<1x1024x1xi32> to vector<1024xi32>
    %swap3A_210 = vector.shape_cast %reduce_min3A_204 : vector<1024xi32> to vector<1x1024x1xi32>
    tpu.vector_store %arg3[%swap3A_205, %swap3A_206, %swap3A_207], %swap3A_210 {strides = array<i32>} : memref<1x1024x20xi32, #tpu.memory_space<vmem>>, vector<1x1024x1xi32>,
    %broadcast_in_dim3A_211 = vector.shape_cast %reduce_min3A_204 : vector<1024xi32> to vector<1024x1xi32>
    %eq3A_212 = vector.broadcast %broadcast_in_dim3A_211 : vector<1024x1xi32> to vector<1024x1024xi32>
    %eq3A_213 = arith.cmpi eq, %iota3A, %eq3A_212 : vector<1024x1024xi32>
    %jit3A_214 = arith.constant 0xFF800000 : f32
    %broadcast_in_dim3A_215 = vector.broadcast %jit3A_214 : f32 to vector<1024x1024xf32>
    %select_n3A_216 = arith.select %eq3A_213, %broadcast_in_dim3A_215, %select_n3A_194 : vector<1024x1024xi1>, vector<1024x1024xf32>
    %reduce_max3A_217 = arith.constant dense<0xFF800000> : vector<1024xf32>
    %reduce_max3A_218 = vector.multi_reduction <maximumf>, %select_n3A_216, %reduce_max3A_217 [1] : vector<1024x1024xf32> to vector<1024xf32>
    %broadcast_in_dim3A_219 = vector.shape_cast %reduce_max3A_218 : vector<1024xf32> to vector<1024x1xf32>
    %eq3A_220 = vector.broadcast %broadcast_in_dim3A_219 : vector<1024x1xf32> to vector<1024x1024xf32>
    %eq3A_221 = arith.cmpf oeq, %select_n3A_216, %eq3A_220 : vector<1024x1024xf32>
    %jit3A_222 = arith.constant 1024 : i32
    %broadcast_in_dim3A_223 = vector.broadcast %jit3A_222 : i32 to vector<1024x1024xi32>
    %select_n3A_224 = arith.select %eq3A_221, %iota3A, %broadcast_in_dim3A_223 : vector<1024x1024xi1>, vector<1024x1024xi32>
    %reduce_min3A_225 = arith.constant dense<2147483647> : vector<1024xi32>
    %reduce_min3A_226 = vector.multi_reduction <minsi>, %select_n3A_224, %reduce_min3A_225 [1] : vector<1024x1024xi32> to vector<1024xi32>
    %swap3A_227 = arith.constant 0 : index
    %swap3A_228 = arith.constant 0 : index
    %swap3A_229 = arith.constant 10 : index
    %swap3A_230 = vector.load %arg3[%swap3A_227, %swap3A_228, %swap3A_229] : memref<1x1024x20xi32, #tpu.memory_space<vmem>>, vector<1x1024x1xi32>
    %swap3A_231 = vector.shape_cast %swap3A_230 : vector<1x1024x1xi32> to vector<1024xi32>
    %swap3A_232 = vector.shape_cast %reduce_min3A_226 : vector<1024xi32> to vector<1x1024x1xi32>
    tpu.vector_store %arg3[%swap3A_227, %swap3A_228, %swap3A_229], %swap3A_232 {strides = array<i32>} : memref<1x1024x20xi32, #tpu.memory_space<vmem>>, vector<1x1024x1xi32>,
    %broadcast_in_dim3A_233 = vector.shape_cast %reduce_min3A_226 : vector<1024xi32> to vector<1024x1xi32>
    %eq3A_234 = vector.broadcast %broadcast_in_dim3A_233 : vector<1024x1xi32> to vector<1024x1024xi32>
    %eq3A_235 = arith.cmpi eq, %iota3A, %eq3A_234 : vector<1024x1024xi32>
    %jit3A_236 = arith.constant 0xFF800000 : f32
    %broadcast_in_dim3A_237 = vector.broadcast %jit3A_236 : f32 to vector<1024x1024xf32>
    %select_n3A_238 = arith.select %eq3A_235, %broadcast_in_dim3A_237, %select_n3A_216 : vector<1024x1024xi1>, vector<1024x1024xf32>
    %reduce_max3A_239 = arith.constant dense<0xFF800000> : vector<1024xf32>
    %reduce_max3A_240 = vector.multi_reduction <maximumf>, %select_n3A_238, %reduce_max3A_239 [1] : vector<1024x1024xf32> to vector<1024xf32>
    %broadcast_in_dim3A_241 = vector.shape_cast %reduce_max3A_240 : vector<1024xf32> to vector<1024x1xf32>
    %eq3A_242 = vector.broadcast %broadcast_in_dim3A_241 : vector<1024x1xf32> to vector<1024x1024xf32>
    %eq3A_243 = arith.cmpf oeq, %select_n3A_238, %eq3A_242 : vector<1024x1024xf32>
    %jit3A_244 = arith.constant 1024 : i32
    %broadcast_in_dim3A_245 = vector.broadcast %jit3A_244 : i32 to vector<1024x1024xi32>
    %select_n3A_246 = arith.select %eq3A_243, %iota3A, %broadcast_in_dim3A_245 : vector<1024x1024xi1>, vector<1024x1024xi32>
    %reduce_min3A_247 = arith.constant dense<2147483647> : vector<1024xi32>
    %reduce_min3A_248 = vector.multi_reduction <minsi>, %select_n3A_246, %reduce_min3A_247 [1] : vector<1024x1024xi32> to vector<1024xi32>
    %swap3A_249 = arith.constant 0 : index
    %swap3A_250 = arith.constant 0 : index
    %swap3A_251 = arith.constant 11 : index
    %swap3A_252 = vector.load %arg3[%swap3A_249, %swap3A_250, %swap3A_251] : memref<1x1024x20xi32, #tpu.memory_space<vmem>>, vector<1x1024x1xi32>
    %swap3A_253 = vector.shape_cast %swap3A_252 : vector<1x1024x1xi32> to vector<1024xi32>
    %swap3A_254 = vector.shape_cast %reduce_min3A_248 : vector<1024xi32> to vector<1x1024x1xi32>
    tpu.vector_store %arg3[%swap3A_249, %swap3A_250, %swap3A_251], %swap3A_254 {strides = array<i32>} : memref<1x1024x20xi32, #tpu.memory_space<vmem>>, vector<1x1024x1xi32>,
    %broadcast_in_dim3A_255 = vector.shape_cast %reduce_min3A_248 : vector<1024xi32> to vector<1024x1xi32>
    %eq3A_256 = vector.broadcast %broadcast_in_dim3A_255 : vector<1024x1xi32> to vector<1024x1024xi32>
    %eq3A_257 = arith.cmpi eq, %iota3A, %eq3A_256 : vector<1024x1024xi32>
    %jit3A_258 = arith.constant 0xFF800000 : f32
    %broadcast_in_dim3A_259 = vector.broadcast %jit3A_258 : f32 to vector<1024x1024xf32>
    %select_n3A_260 = arith.select %eq3A_257, %broadcast_in_dim3A_259, %select_n3A_238 : vector<1024x1024xi1>, vector<1024x1024xf32>
    %reduce_max3A_261 = arith.constant dense<0xFF800000> : vector<1024xf32>
    %reduce_max3A_262 = vector.multi_reduction <maximumf>, %select_n3A_260, %reduce_max3A_261 [1] : vector<1024x1024xf32> to vector<1024xf32>
    %broadcast_in_dim3A_263 = vector.shape_cast %reduce_max3A_262 : vector<1024xf32> to vector<1024x1xf32>
    %eq3A_264 = vector.broadcast %broadcast_in_dim3A_263 : vector<1024x1xf32> to vector<1024x1024xf32>
    %eq3A_265 = arith.cmpf oeq, %select_n3A_260, %eq3A_264 : vector<1024x1024xf32>
    %jit3A_266 = arith.constant 1024 : i32
    %broadcast_in_dim3A_267 = vector.broadcast %jit3A_266 : i32 to vector<1024x1024xi32>
    %select_n3A_268 = arith.select %eq3A_265, %iota3A, %broadcast_in_dim3A_267 : vector<1024x1024xi1>, vector<1024x1024xi32>
    %reduce_min3A_269 = arith.constant dense<2147483647> : vector<1024xi32>
    %reduce_min3A_270 = vector.multi_reduction <minsi>, %select_n3A_268, %reduce_min3A_269 [1] : vector<1024x1024xi32> to vector<1024xi32>
    %swap3A_271 = arith.constant 0 : index
    %swap3A_272 = arith.constant 0 : index
    %swap3A_273 = arith.constant 12 : index
    %swap3A_274 = vector.load %arg3[%swap3A_271, %swap3A_272, %swap3A_273] : memref<1x1024x20xi32, #tpu.memory_space<vmem>>, vector<1x1024x1xi32>
    %swap3A_275 = vector.shape_cast %swap3A_274 : vector<1x1024x1xi32> to vector<1024xi32>
    %swap3A_276 = vector.shape_cast %reduce_min3A_270 : vector<1024xi32> to vector<1x1024x1xi32>
    tpu.vector_store %arg3[%swap3A_271, %swap3A_272, %swap3A_273], %swap3A_276 {strides = array<i32>} : memref<1x1024x20xi32, #tpu.memory_space<vmem>>, vector<1x1024x1xi32>,
    %broadcast_in_dim3A_277 = vector.shape_cast %reduce_min3A_270 : vector<1024xi32> to vector<1024x1xi32>
    %eq3A_278 = vector.broadcast %broadcast_in_dim3A_277 : vector<1024x1xi32> to vector<1024x1024xi32>
    %eq3A_279 = arith.cmpi eq, %iota3A, %eq3A_278 : vector<1024x1024xi32>
    %jit3A_280 = arith.constant 0xFF800000 : f32
    %broadcast_in_dim3A_281 = vector.broadcast %jit3A_280 : f32 to vector<1024x1024xf32>
    %select_n3A_282 = arith.select %eq3A_279, %broadcast_in_dim3A_281, %select_n3A_260 : vector<1024x1024xi1>, vector<1024x1024xf32>
    %reduce_max3A_283 = arith.constant dense<0xFF800000> : vector<1024xf32>
    %reduce_max3A_284 = vector.multi_reduction <maximumf>, %select_n3A_282, %reduce_max3A_283 [1] : vector<1024x1024xf32> to vector<1024xf32>
    %broadcast_in_dim3A_285 = vector.shape_cast %reduce_max3A_284 : vector<1024xf32> to vector<1024x1xf32>
    %eq3A_286 = vector.broadcast %broadcast_in_dim3A_285 : vector<1024x1xf32> to vector<1024x1024xf32>
    %eq3A_287 = arith.cmpf oeq, %select_n3A_282, %eq3A_286 : vector<1024x1024xf32>
    %jit3A_288 = arith.constant 1024 : i32
    %broadcast_in_dim3A_289 = vector.broadcast %jit3A_288 : i32 to vector<1024x1024xi32>
    %select_n3A_290 = arith.select %eq3A_287, %iota3A, %broadcast_in_dim3A_289 : vector<1024x1024xi1>, vector<1024x1024xi32>
    %reduce_min3A_291 = arith.constant dense<2147483647> : vector<1024xi32>
    %reduce_min3A_292 = vector.multi_reduction <minsi>, %select_n3A_290, %reduce_min3A_291 [1] : vector<1024x1024xi32> to vector<1024xi32>
    %swap3A_293 = arith.constant 0 : index
    %swap3A_294 = arith.constant 0 : index
    %swap3A_295 = arith.constant 13 : index
    %swap3A_296 = vector.load %arg3[%swap3A_293, %swap3A_294, %swap3A_295] : memref<1x1024x20xi32, #tpu.memory_space<vmem>>, vector<1x1024x1xi32>
    %swap3A_297 = vector.shape_cast %swap3A_296 : vector<1x1024x1xi32> to vector<1024xi32>
    %swap3A_298 = vector.shape_cast %reduce_min3A_292 : vector<1024xi32> to vector<1x1024x1xi32>
    tpu.vector_store %arg3[%swap3A_293, %swap3A_294, %swap3A_295], %swap3A_298 {strides = array<i32>} : memref<1x1024x20xi32, #tpu.memory_space<vmem>>, vector<1x1024x1xi32>,
    %broadcast_in_dim3A_299 = vector.shape_cast %reduce_min3A_292 : vector<1024xi32> to vector<1024x1xi32>
    %eq3A_300 = vector.broadcast %broadcast_in_dim3A_299 : vector<1024x1xi32> to vector<1024x1024xi32>
    %eq3A_301 = arith.cmpi eq, %iota3A, %eq3A_300 : vector<1024x1024xi32>
    %jit3A_302 = arith.constant 0xFF800000 : f32
    %broadcast_in_dim3A_303 = vector.broadcast %jit3A_302 : f32 to vector<1024x1024xf32>
    %select_n3A_304 = arith.select %eq3A_301, %broadcast_in_dim3A_303, %select_n3A_282 : vector<1024x1024xi1>, vector<1024x1024xf32>
    %reduce_max3A_305 = arith.constant dense<0xFF800000> : vector<1024xf32>
    %reduce_max3A_306 = vector.multi_reduction <maximumf>, %select_n3A_304, %reduce_max3A_305 [1] : vector<1024x1024xf32> to vector<1024xf32>
    %broadcast_in_dim3A_307 = vector.shape_cast %reduce_max3A_306 : vector<1024xf32> to vector<1024x1xf32>
    %eq3A_308 = vector.broadcast %broadcast_in_dim3A_307 : vector<1024x1xf32> to vector<1024x1024xf32>
    %eq3A_309 = arith.cmpf oeq, %select_n3A_304, %eq3A_308 : vector<1024x1024xf32>
    %jit3A_310 = arith.constant 1024 : i32
    %broadcast_in_dim3A_311 = vector.broadcast %jit3A_310 : i32 to vector<1024x1024xi32>
    %select_n3A_312 = arith.select %eq3A_309, %iota3A, %broadcast_in_dim3A_311 : vector<1024x1024xi1>, vector<1024x1024xi32>
    %reduce_min3A_313 = arith.constant dense<2147483647> : vector<1024xi32>
    %reduce_min3A_314 = vector.multi_reduction <minsi>, %select_n3A_312, %reduce_min3A_313 [1] : vector<1024x1024xi32> to vector<1024xi32>
    %swap3A_315 = arith.constant 0 : index
    %swap3A_316 = arith.constant 0 : index
    %swap3A_317 = arith.constant 14 : index
    %swap3A_318 = vector.load %arg3[%swap3A_315, %swap3A_316, %swap3A_317] : memref<1x1024x20xi32, #tpu.memory_space<vmem>>, vector<1x1024x1xi32>
    %swap3A_319 = vector.shape_cast %swap3A_318 : vector<1x1024x1xi32> to vector<1024xi32>
    %swap3A_320 = vector.shape_cast %reduce_min3A_314 : vector<1024xi32> to vector<1x1024x1xi32>
    tpu.vector_store %arg3[%swap3A_315, %swap3A_316, %swap3A_317], %swap3A_320 {strides = array<i32>} : memref<1x1024x20xi32, #tpu.memory_space<vmem>>, vector<1x1024x1xi32>,
    %broadcast_in_dim3A_321 = vector.shape_cast %reduce_min3A_314 : vector<1024xi32> to vector<1024x1xi32>
    %eq3A_322 = vector.broadcast %broadcast_in_dim3A_321 : vector<1024x1xi32> to vector<1024x1024xi32>
    %eq3A_323 = arith.cmpi eq, %iota3A, %eq3A_322 : vector<1024x1024xi32>
    %jit3A_324 = arith.constant 0xFF800000 : f32
    %broadcast_in_dim3A_325 = vector.broadcast %jit3A_324 : f32 to vector<1024x1024xf32>
    %select_n3A_326 = arith.select %eq3A_323, %broadcast_in_dim3A_325, %select_n3A_304 : vector<1024x1024xi1>, vector<1024x1024xf32>
    %reduce_max3A_327 = arith.constant dense<0xFF800000> : vector<1024xf32>
    %reduce_max3A_328 = vector.multi_reduction <maximumf>, %select_n3A_326, %reduce_max3A_327 [1] : vector<1024x1024xf32> to vector<1024xf32>
    %broadcast_in_dim3A_329 = vector.shape_cast %reduce_max3A_328 : vector<1024xf32> to vector<1024x1xf32>
    %eq3A_330 = vector.broadcast %broadcast_in_dim3A_329 : vector<1024x1xf32> to vector<1024x1024xf32>
    %eq3A_331 = arith.cmpf oeq, %select_n3A_326, %eq3A_330 : vector<1024x1024xf32>
    %jit3A_332 = arith.constant 1024 : i32
    %broadcast_in_dim3A_333 = vector.broadcast %jit3A_332 : i32 to vector<1024x1024xi32>
    %select_n3A_334 = arith.select %eq3A_331, %iota3A, %broadcast_in_dim3A_333 : vector<1024x1024xi1>, vector<1024x1024xi32>
    %reduce_min3A_335 = arith.constant dense<2147483647> : vector<1024xi32>
    %reduce_min3A_336 = vector.multi_reduction <minsi>, %select_n3A_334, %reduce_min3A_335 [1] : vector<1024x1024xi32> to vector<1024xi32>
    %swap3A_337 = arith.constant 0 : index
    %swap3A_338 = arith.constant 0 : index
    %swap3A_339 = arith.constant 15 : index
    %swap3A_340 = vector.load %arg3[%swap3A_337, %swap3A_338, %swap3A_339] : memref<1x1024x20xi32, #tpu.memory_space<vmem>>, vector<1x1024x1xi32>
    %swap3A_341 = vector.shape_cast %swap3A_340 : vector<1x1024x1xi32> to vector<1024xi32>
    %swap3A_342 = vector.shape_cast %reduce_min3A_336 : vector<1024xi32> to vector<1x1024x1xi32>
    tpu.vector_store %arg3[%swap3A_337, %swap3A_338, %swap3A_339], %swap3A_342 {strides = array<i32>} : memref<1x1024x20xi32, #tpu.memory_space<vmem>>, vector<1x1024x1xi32>,
    %broadcast_in_dim3A_343 = vector.shape_cast %reduce_min3A_336 : vector<1024xi32> to vector<1024x1xi32>
    %eq3A_344 = vector.broadcast %broadcast_in_dim3A_343 : vector<1024x1xi32> to vector<1024x1024xi32>
    %eq3A_345 = arith.cmpi eq, %iota3A, %eq3A_344 : vector<1024x1024xi32>
    %jit3A_346 = arith.constant 0xFF800000 : f32
    %broadcast_in_dim3A_347 = vector.broadcast %jit3A_346 : f32 to vector<1024x1024xf32>
    %select_n3A_348 = arith.select %eq3A_345, %broadcast_in_dim3A_347, %select_n3A_326 : vector<1024x1024xi1>, vector<1024x1024xf32>
    %reduce_max3A_349 = arith.constant dense<0xFF800000> : vector<1024xf32>
    %reduce_max3A_350 = vector.multi_reduction <maximumf>, %select_n3A_348, %reduce_max3A_349 [1] : vector<1024x1024xf32> to vector<1024xf32>
    %broadcast_in_dim3A_351 = vector.shape_cast %reduce_max3A_350 : vector<1024xf32> to vector<1024x1xf32>
    %eq3A_352 = vector.broadcast %broadcast_in_dim3A_351 : vector<1024x1xf32> to vector<1024x1024xf32>
    %eq3A_353 = arith.cmpf oeq, %select_n3A_348, %eq3A_352 : vector<1024x1024xf32>
    %jit3A_354 = arith.constant 1024 : i32
    %broadcast_in_dim3A_355 = vector.broadcast %jit3A_354 : i32 to vector<1024x1024xi32>
    %select_n3A_356 = arith.select %eq3A_353, %iota3A, %broadcast_in_dim3A_355 : vector<1024x1024xi1>, vector<1024x1024xi32>
    %reduce_min3A_357 = arith.constant dense<2147483647> : vector<1024xi32>
    %reduce_min3A_358 = vector.multi_reduction <minsi>, %select_n3A_356, %reduce_min3A_357 [1] : vector<1024x1024xi32> to vector<1024xi32>
    %swap3A_359 = arith.constant 0 : index
    %swap3A_360 = arith.constant 0 : index
    %swap3A_361 = arith.constant 16 : index
    %swap3A_362 = vector.load %arg3[%swap3A_359, %swap3A_360, %swap3A_361] : memref<1x1024x20xi32, #tpu.memory_space<vmem>>, vector<1x1024x1xi32>
    %swap3A_363 = vector.shape_cast %swap3A_362 : vector<1x1024x1xi32> to vector<1024xi32>
    %swap3A_364 = vector.shape_cast %reduce_min3A_358 : vector<1024xi32> to vector<1x1024x1xi32>
    tpu.vector_store %arg3[%swap3A_359, %swap3A_360, %swap3A_361], %swap3A_364 {strides = array<i32>} : memref<1x1024x20xi32, #tpu.memory_space<vmem>>, vector<1x1024x1xi32>,
    %broadcast_in_dim3A_365 = vector.shape_cast %reduce_min3A_358 : vector<1024xi32> to vector<1024x1xi32>
    %eq3A_366 = vector.broadcast %broadcast_in_dim3A_365 : vector<1024x1xi32> to vector<1024x1024xi32>
    %eq3A_367 = arith.cmpi eq, %iota3A, %eq3A_366 : vector<1024x1024xi32>
    %jit3A_368 = arith.constant 0xFF800000 : f32
    %broadcast_in_dim3A_369 = vector.broadcast %jit3A_368 : f32 to vector<1024x1024xf32>
    %select_n3A_370 = arith.select %eq3A_367, %broadcast_in_dim3A_369, %select_n3A_348 : vector<1024x1024xi1>, vector<1024x1024xf32>
    %reduce_max3A_371 = arith.constant dense<0xFF800000> : vector<1024xf32>
    %reduce_max3A_372 = vector.multi_reduction <maximumf>, %select_n3A_370, %reduce_max3A_371 [1] : vector<1024x1024xf32> to vector<1024xf32>
    %broadcast_in_dim3A_373 = vector.shape_cast %reduce_max3A_372 : vector<1024xf32> to vector<1024x1xf32>
    %eq3A_374 = vector.broadcast %broadcast_in_dim3A_373 : vector<1024x1xf32> to vector<1024x1024xf32>
    %eq3A_375 = arith.cmpf oeq, %select_n3A_370, %eq3A_374 : vector<1024x1024xf32>
    %jit3A_376 = arith.constant 1024 : i32
    %broadcast_in_dim3A_377 = vector.broadcast %jit3A_376 : i32 to vector<1024x1024xi32>
    %select_n3A_378 = arith.select %eq3A_375, %iota3A, %broadcast_in_dim3A_377 : vector<1024x1024xi1>, vector<1024x1024xi32>
    %reduce_min3A_379 = arith.constant dense<2147483647> : vector<1024xi32>
    %reduce_min3A_380 = vector.multi_reduction <minsi>, %select_n3A_378, %reduce_min3A_379 [1] : vector<1024x1024xi32> to vector<1024xi32>
    %swap3A_381 = arith.constant 0 : index
    %swap3A_382 = arith.constant 0 : index
    %swap3A_383 = arith.constant 17 : index
    %swap3A_384 = vector.load %arg3[%swap3A_381, %swap3A_382, %swap3A_383] : memref<1x1024x20xi32, #tpu.memory_space<vmem>>, vector<1x1024x1xi32>
    %swap3A_385 = vector.shape_cast %swap3A_384 : vector<1x1024x1xi32> to vector<1024xi32>
    %swap3A_386 = vector.shape_cast %reduce_min3A_380 : vector<1024xi32> to vector<1x1024x1xi32>
    tpu.vector_store %arg3[%swap3A_381, %swap3A_382, %swap3A_383], %swap3A_386 {strides = array<i32>} : memref<1x1024x20xi32, #tpu.memory_space<vmem>>, vector<1x1024x1xi32>,
    %broadcast_in_dim3A_387 = vector.shape_cast %reduce_min3A_380 : vector<1024xi32> to vector<1024x1xi32>
    %eq3A_388 = vector.broadcast %broadcast_in_dim3A_387 : vector<1024x1xi32> to vector<1024x1024xi32>
    %eq3A_389 = arith.cmpi eq, %iota3A, %eq3A_388 : vector<1024x1024xi32>
    %jit3A_390 = arith.constant 0xFF800000 : f32
    %broadcast_in_dim3A_391 = vector.broadcast %jit3A_390 : f32 to vector<1024x1024xf32>
    %select_n3A_392 = arith.select %eq3A_389, %broadcast_in_dim3A_391, %select_n3A_370 : vector<1024x1024xi1>, vector<1024x1024xf32>
    %reduce_max3A_393 = arith.constant dense<0xFF800000> : vector<1024xf32>
    %reduce_max3A_394 = vector.multi_reduction <maximumf>, %select_n3A_392, %reduce_max3A_393 [1] : vector<1024x1024xf32> to vector<1024xf32>
    %broadcast_in_dim3A_395 = vector.shape_cast %reduce_max3A_394 : vector<1024xf32> to vector<1024x1xf32>
    %eq3A_396 = vector.broadcast %broadcast_in_dim3A_395 : vector<1024x1xf32> to vector<1024x1024xf32>
    %eq3A_397 = arith.cmpf oeq, %select_n3A_392, %eq3A_396 : vector<1024x1024xf32>
    %jit3A_398 = arith.constant 1024 : i32
    %broadcast_in_dim3A_399 = vector.broadcast %jit3A_398 : i32 to vector<1024x1024xi32>
    %select_n3A_400 = arith.select %eq3A_397, %iota3A, %broadcast_in_dim3A_399 : vector<1024x1024xi1>, vector<1024x1024xi32>
    %reduce_min3A_401 = arith.constant dense<2147483647> : vector<1024xi32>
    %reduce_min3A_402 = vector.multi_reduction <minsi>, %select_n3A_400, %reduce_min3A_401 [1] : vector<1024x1024xi32> to vector<1024xi32>
    %swap3A_403 = arith.constant 0 : index
    %swap3A_404 = arith.constant 0 : index
    %swap3A_405 = arith.constant 18 : index
    %swap3A_406 = vector.load %arg3[%swap3A_403, %swap3A_404, %swap3A_405] : memref<1x1024x20xi32, #tpu.memory_space<vmem>>, vector<1x1024x1xi32>
    %swap3A_407 = vector.shape_cast %swap3A_406 : vector<1x1024x1xi32> to vector<1024xi32>
    %swap3A_408 = vector.shape_cast %reduce_min3A_402 : vector<1024xi32> to vector<1x1024x1xi32>
    tpu.vector_store %arg3[%swap3A_403, %swap3A_404, %swap3A_405], %swap3A_408 {strides = array<i32>} : memref<1x1024x20xi32, #tpu.memory_space<vmem>>, vector<1x1024x1xi32>,
    %broadcast_in_dim3A_409 = vector.shape_cast %reduce_min3A_402 : vector<1024xi32> to vector<1024x1xi32>
    %eq3A_410 = vector.broadcast %broadcast_in_dim3A_409 : vector<1024x1xi32> to vector<1024x1024xi32>
    %eq3A_411 = arith.cmpi eq, %iota3A, %eq3A_410 : vector<1024x1024xi32>
    %jit3A_412 = arith.constant 0xFF800000 : f32
    %broadcast_in_dim3A_413 = vector.broadcast %jit3A_412 : f32 to vector<1024x1024xf32>
    %select_n3A_414 = arith.select %eq3A_411, %broadcast_in_dim3A_413, %select_n3A_392 : vector<1024x1024xi1>, vector<1024x1024xf32>
    %reduce_max3A_415 = arith.constant dense<0xFF800000> : vector<1024xf32>
    %reduce_max3A_416 = vector.multi_reduction <maximumf>, %select_n3A_414, %reduce_max3A_415 [1] : vector<1024x1024xf32> to vector<1024xf32>
    %broadcast_in_dim3A_417 = vector.shape_cast %reduce_max3A_416 : vector<1024xf32> to vector<1024x1xf32>
    %eq3A_418 = vector.broadcast %broadcast_in_dim3A_417 : vector<1024x1xf32> to vector<1024x1024xf32>
    %eq3A_419 = arith.cmpf oeq, %select_n3A_414, %eq3A_418 : vector<1024x1024xf32>
    %jit3A_420 = arith.constant 1024 : i32
    %broadcast_in_dim3A_421 = vector.broadcast %jit3A_420 : i32 to vector<1024x1024xi32>
    %select_n3A_422 = arith.select %eq3A_419, %iota3A, %broadcast_in_dim3A_421 : vector<1024x1024xi1>, vector<1024x1024xi32>
    %reduce_min3A_423 = arith.constant dense<2147483647> : vector<1024xi32>
    %reduce_min3A_424 = vector.multi_reduction <minsi>, %select_n3A_422, %reduce_min3A_423 [1] : vector<1024x1024xi32> to vector<1024xi32>
    %swap3A_425 = arith.constant 0 : index
    %swap3A_426 = arith.constant 0 : index
    %swap3A_427 = arith.constant 19 : index
    %swap3A_428 = vector.load %arg3[%swap3A_425, %swap3A_426, %swap3A_427] : memref<1x1024x20xi32, #tpu.memory_space<vmem>>, vector<1x1024x1xi32>
    %swap3A_429 = vector.shape_cast %swap3A_428 : vector<1x1024x1xi32> to vector<1024xi32>
    %swap3A_430 = vector.shape_cast %reduce_min3A_424 : vector<1024xi32> to vector<1x1024x1xi32>
    tpu.vector_store %arg3[%swap3A_425, %swap3A_426, %swap3A_427], %swap3A_430 {strides = array<i32>} : memref<1x1024x20xi32, #tpu.memory_space<vmem>>, vector<1x1024x1xi32>,
    return
  }
  func.func @transform_0(%arg0: i32, %arg1: i32) -> (i32, i32, i32) {
    %c0_i32 = arith.constant 0 : i32
    %c0_i32_0 = arith.constant 0 : i32
    return %arg0, %arg1, %c0_i32 : i32, i32, i32
  }
  func.func @transform_1(%arg0: i32, %arg1: i32) -> (i32, i32, i32) {
    %c0_i32 = arith.constant 0 : i32
    %c0_i32_0 = arith.constant 0 : i32
    return %arg0, %arg1, %c0_i32 : i32, i32, i32
  }
}

</mosaic_0001>

<sc_bundles>
// kernel: sparse-core-data-format-call.1.cloned.1.call-start
scs
called_computation.1_lowered:
.L_overlay_start_0:
0x0: {  	s1 =	sld [smem:$0x3FD9]  }
0x1: {  	s2 =	sld [smem:$0x3FFE];
	_ =	sdelay $0x1  }
0x2: {  	s3 =	srdreg.scid  }
0x3: {  	s0 =	sand.u32 $0x1, s3  }
0x4: {  	s17 =	sshll.u32 s0, $0xA;
	s1 =	sadd.s32 s2, s1  }
0x5: {  	s1 =	sadd.s32 s1, s17  }
0x6: {  	[smem:$0x3FB2] =	sst s1  }
0x7: {  	_ = 	snop  }
0x8: {  	(tm) =	ssettm $0x1  }
0x9: {  	s18 =	sld [smem:$0x3FFB];
	_ =	sdelay $0x3  }
0xa: {  	_ =	strace s18  }
0xb: {  	s1 =	sld [smem:$0x3FFC];
	_ =	sdelay $0x3  }
0xc: {  	_ =	strace s1  }
0xd: {  	s1 =	sld [smem:$0x3FFD];
	_ =	sdelay $0x3  }
0xe: {  	_ =	strace s1  }
0xf: {  	_ =	strace $0x8FFFFFFF  }
0x10: {  	s19 =	sld [smem:$0x3FDB];
	_ =	sdelay $0x1  }
0x11: {  	s20 =	simm.s32 $_scs_section_size  }
0x12: {  	s4 =	simm.s32 $_size__tile_overlayer_lowered;
	s5 =	simm.s32 $_tile_overlayer_lowered  }
0x13: {  	s23 =	simm.s32 $0x1BFF;
	s22 =	sshll.u32 s5, $0x1;
	s1 =	sadd.s32 s20, s19  }
0x14: {  	s6 =	simm.s32 $0x0;
	s21 =	sshll.u32 s4, $0x1;
	s4 =	sadd.s32 s22, s1  }
0x15: {  	[timem:s6], [sflag:s23] =	dma.local [hbm:s4], s21  }
0x16: {  	_ =	swait.ge [sflag:s23], s21  }
0x17: {  	s2 =	ssub.s32 $0x0, s21;
	[sflag:s23] =	ssyncset.done $0x0  }
0x18: {  	[sflag:s23] =	ssyncadd.s32 s2;
	_ =	sdelay $0x1  }
0x19: {  	s24 =	simm.s32 $0x1B8B  }
0x1a: {  	_ =	swait.ge [sflag:s24], $0x1  }
0x1b: {  	[sflag:s24] =	ssyncset.done $0x0  }
0x1c: {  	s26 =	simm.s32 $0x1B8E;
	s25 =	sld [smem:$0x3FFE];
	[sflag:s24] =	ssyncadd.s32 $0xFFFFFFFF  }
0x1d: {  	s27 =	simm.s32 $execute0_lowered;
	[smem:$0x3FD2] =	sst s26  }
0x1e: {  	s4 =	sshll.u32 s27, $0x1;
	_ =	strace $0x8000004C;
	[dreg:$0x1] =	wrdreg $0xFFFFFFFF  }
0x1f: {  	s28 =	simm.s32 $_size_execute0_lowered;
	s1 =	sadd.s32 s1, s4;
	[dreg:$0x0] =	wrdreg $0x0  }
0x20: {  	s4 =	sshll.u32 s28, $0x1;
	[dreg:$0x2] =	wrdreg s1  }
0x21: {  	[dreg:$0x3] =	wrdreg s4  }
0x22: {  	[dreg:$0x4] =	wrdreg $0xC0  }
0x23: {  	_ =	task [dreg:s6], $0x5FFFF  }
0x24: {  	[dreg:$0x1] =	wrdreg $0xFFFFFFFF  }
0x25: {  	[dreg:$0x0] =	wrdreg $0x60  }
0x26: {  	[dreg:$0x2] =	wrdreg s25  }
0x27: {  	[dreg:$0x3] =	wrdreg $0x9  }
0x28: {  	_ =	task.clear_ibuf [dreg:s6], $0x4FFFF;
	_ =	strace $0x9000004C  }
0x29: {  	s29 =	simm.s32 $0x9;
	_ =	strace $0x8000004E  }
0x2a: {  	_ =	swait.ge [sflag:s29], $0x1  }
0x2b: {  	[sflag:s29] =	ssyncadd.s32 $0xFFFFFFFF  }
0x2c: {  	_ =	strace $0x9000004E  }
0x2d: {  	_ =	sfence  }
0x2e: {  	s30 =	sld [smem:$0x0];
	_ =	sdelay $0x2  }
0x2f: {  	s31 =	sshll.u32 s3, $0xD;
	s3 =	sshrl.u32 s3, $0x2  }
0x30: {  	s2 =	sand.u32 $0x4000, s31;
	s1 =	sadd.s32 s3, s30  }
0x31: {  	s0 =	sor.u32 s2, s0;
	s1 =	sshll.u32 s1, $0x11  }
0x32: {  	s0 =	sor.u32 s1, s0  }
0x33: {  	s0 =	sadd.s32 $0x8F2B, s0  }
0x34: {  	[sflag:s0] =	ssyncadd.remote.s32 $0x1  }
0x35: {  	_ =	sfence.sel $0xFFFF  }
0x36: {  	[dreg:$0x0] =	wrdreg $0xFFFFFFFF;
	(pc) =	sbr.abs _section_cstart, $3  }
0x37: {  	[dreg:$0x1] =	wrdreg $0xFFFFFFFF  }
0x38: {  	_ =	task.clear_ibuf [dreg:s6], $0x2FFFF;
	_ =	strace $0x9FFFFFFF  }
0x39: {  	(tm) =	ssettm $0x7FFFFFFF  }
tec
execute0_lowered:
.L_overlay_start_1:
0x0: {  	(tag) =	ssettag $0x1  }
0x1: {  	s0 =	stileid.u32  }
0x2: {  	s1 =	srdreg.scid;
	s4 =	rddreg [dreg:$0x0];
	s5 =	simm.s32 $0x1  }
0x3: {  	_ =	strace $0x8000004D;
	s8 =	simm.s32 $0x2;
	s21 =	simm.s32 $0x0  }
0x4: {  	s9 =	simm.s32 $0x2000;
	s2 =	sshll.u32 s0, $0x4;
	s1 =	sshll.u32 s1, $0x8  }
0x5: {  	s19 =	simm.s32 $0x0;
	s20 =	simm.s32 $0x0;
	s1 =	sor.u32 s2, s1  }
0x6: {  	s22 =	simm.s32 $0x0;
	s10 =	simm.s32 $0x0;
	s2 =	sand.u32 $0x180, s1  }
0x7: {  	s11 =	simm.s32 $0x0;
	s12 =	simm.s32 $0x0;
	s3 =	ssub.s32 $0x400, s2  }
0x8: {  	s13 =	simm.s32 $0x0;
	s14 =	simm.s32 $0x0;
	s31 =	sand.u32 $0x180, s3  }
0x9: {  	s15 =	simm.s32 $0x0;
	s7 =	sand.u32 $0x7, s0;
	p0 =	sne.s32 s31, $0x0  }
.Ltmp0:
0xa: {  	s6 =	sshrl.u32 s3, $0x9;
	s5 =	simm.s32 @!p0 $0x0;
	(pc) =	sbr.rel .LBB1_1-.Ltmp0, $4  }
0xb: {  	s18 =	simm.s32 $0x0;
	s17 =	smov.u32 s7;
	s6 =	sadd.s32 s5, s6  }
0xc: {  	s16 =	smov.u32 s2;
	s5 =	simm.s32 $0x1;
	s6 =	smul.u32 $0x3C, s6  }
0xd: {  	s3 =	sadd.s32 $0x48000, s4;
	s4 =	sadd.s32 $0xA48000, s4;
	[sflag:s5] =	ssyncpa.u1 $0x0  }
0xe: {  	p0 =	por $0x0, $0x0;
	[sflag:s8] =	ssyncpa.u1 $0x0;
	s8 =	sor.u32 $0x1, s6  }
.LBB1_4:
0xf: {  	p1 =	sgt.s32 s13, $0x7  }
0x10: {  	s25 =	smov.u32 s13;
	s26 =	sshra.s32 s13, $0x1F;
	s27 =	sshrl.u32 s12, $0x7  }
0x11: {  	p2 =	sgt.s32 s10, $0x2;
	s28 =	smov.u32 s10;
	s1 =	sshra.s32 s10, $0x1F  }
0x12: {  	s30 =	smov.u32 s12;
	s25 =	simm.s32 @!p1 $0x7;
	s26 =	sand.u32 s26, s13  }
0x13: {  	s28 =	simm.s32 @!p2 $0x2;
	p2 =	sgt.s32 s12, $0x380;
	s25 =	ssub.s32 s25, s26  }
0x14: {  	s26 =	sand.u32 $0x3FFFFF, s27;
	s27 =	sand.u32 s1, s10;
	s30 =	simm.s32 @!p2 $0x380  }
0x15: {  	p2 =	sgt.s32 s11, $0x13;
	s31 =	sadd.s32 $0xFFFFFFF9, s25;
	s29 =	smulhi.u32 $0x5555556, s26  }
0x16: {  	s25 =	ssub.s32 $0x8, s25;
	p1 =	sgt.s32 s31, $0x0;
	s31 =	sshra.s32 s12, $0x1F  }
0x17: {  	s27 =	ssub.s32 s28, s27;
	s25 =	smul.u32 $0x30, s25;
	s31 =	sand.u32 s31, s12  }
0x18: {  	s29 =	smul.u32 $0x30, s29;
	s28 =	ssub.s32 s30, s31;
	s30 =	sadd.s32 $0xFFFFFFFE, s27  }
0x19: {  	s31 =	smov.u32 s11;
	s27 =	ssub.s32 $0x3, s27;
	s1 =	sadd.s32 $0xFFFFFC80, s28  }
0x1a: {  	s31 =	simm.s32 @!p2 $0x13;
	p2 =	sgt.s32 s1, $0x7F;
	s1 =	sshra.s32 s11, $0x1F  }
0x1b: {  	s25 =	simm.s32 @p1 $0x0;
	s28 =	ssub.s32 $0x400, s28;
	s1 =	sand.u32 s1, s11  }
0x1c: {  	p3 =	sgt.s32 s30, $0x0;
	s28 =	simm.s32 @p2 $0x0;
	s1 =	ssub.s32 s31, s1  }
0x1d: {  	s26 =	ssub.s32 s26, s29;
	s25 =	smul.u32 s28, s25;
	s30 =	sadd.s32 $0xFFFFFFED, s1  }
0x1e: {  	s28 =	smul.u32 $0x5A000, s13;
	s1 =	ssub.s32 $0x14, s1;
	p1 =	sgt.s32 s30, $0x0  }
0x1f: {  	s27 =	simm.s32 @p3 $0x0;
	s31 =	smul.u32 $0x1800, s11;
	s1 =	simm.s32 @p1 $0x0  }
0x20: {  	s30 =	sshrl.u32 s12, $0x3;
	s28 =	sadd.s32 s4, s28;
	s1 =	smul.u32 s1, s25  }
0x21: {  	s28 =	sadd.s32 s31, s28;
	s31 =	smul.u32 $0x1E000, s10;
	s25 =	sand.u32 $0xF, s30  }
0x22: {  	[tilespmem:s24+$0x810 ss:$0x81] =	vst.msk $0xffff, v2;
	s25 =	sadd.s32 s25, s28;
	s28 =	sand.u32 $0x7, s12;
	s1 =	smul.u32 s27, s1  }
0x23: {  	[tilespmem:s24+$0x1020 ss:$0x81] =	vst.msk $0xffff, v0;
	s26 =	sshll.u32 s26, $0x7;
	s25 =	sadd.s32 s31, s25;
	s27 =	sshll.u32 s28, $0x12  }
0x24: {  	[tilespmem:s24+$0x0 ss:$0x81] =	vst.msk $0xffff, v1;
	s30 =	sadd.s32 s26, s25;
	s31 =	sor.u32 $0x400, s27;
	s1 =	sand.u32 $0x3FFFFFF0, s1  }
0x25: {  	[hbm4b:s30+s31] =	stream.strided.scatter [tilespmem:s23], [sflag:$0x2], s1, s9, s31, $0x20;
	[tilespmem:$0x8080] =	vst v63  }
.LBB1_5:
0x26: {  	p1 =	slt.u32 s18, $0x2;
	s1 =	smov.u32 s22;
	s25 =	smov.u32 s16  }
0x27: {  	p2 =	sgt.s32 @!p1 s22, $0x7;
	s23 =	sshra.s32 @!p1 s22, $0x1F;
	s24 =	sshra.s32 @!p1 s21, $0x1F  }
0x28: {  	p4 =	sgt.s32 @!p1 s20, $0x380;
	p2 =	por !p2, p1;
	s22 =	sand.u32 @!p1 s23, s22  }
0x29: {  	s23 =	smov.u32 s21;
	s1 =	simm.s32 @p2 $0x7;
	p2 =	sgt.s32 @!p1 s21, $0x2  }
0x2a: {  	p4 =	por !p4, p1;
	s21 =	sand.u32 @!p1 s24, s21;
	p2 =	por !p2, p1  }
0x2b: {  	s24 =	smov.u32 s19;
	s1 =	ssub.s32 @!p1 s1, s22;
	s23 =	simm.s32 @p2 $0x2  }
0x2c: {  	s22 =	sadd.s32 @!p1 $0xFFFFFFF9, s1;
	s1 =	ssub.s32 @!p1 $0x8, s1;
	s21 =	ssub.s32 @!p1 s23, s21  }
0x2d: {  	p3 =	sgt.s32 @!p1 s22, $0x0;
	s23 =	sshra.s32 @!p1 s20, $0x1F;
	s22 =	sadd.s32 @!p1 $0xFFFFFFFE, s21  }
0x2e: {  	s1 =	smul.u32 @!p1 $0x30, s1;
	p2 =	sgt.s32 @!p1 s22, $0x0;
	s22 =	smov.u32 s20  }
0x2f: {  	s20 =	sand.u32 @!p1 s23, s20;
	s22 =	simm.s32 @p4 $0x380;
	p4 =	sgt.s32 @!p1 s19, $0x13  }
0x30: {  	s23 =	sshra.s32 @!p1 s19, $0x1F;
	p4 =	por !p4, p1;
	s20 =	ssub.s32 @!p1 s22, s20  }
0x31: {  	s19 =	sand.u32 @!p1 s23, s19;
	s24 =	simm.s32 @p4 $0x13;
	s22 =	sadd.s32 @!p1 $0xFFFFFC80, s20  }
0x32: {  	p3 =	por !p3, p1;
	s19 =	ssub.s32 @!p1 s24, s19;
	p4 =	sgt.s32 @!p1 s22, $0x7F  }
0x33: {  	s20 =	ssub.s32 @!p1 $0x400, s20;
	s23 =	sadd.s32 @!p1 $0xFFFFFFED, s19;
	p4 =	por !p4, p1  }
0x34: {  	s1 =	simm.s32 @!p3 $0x0;
	s20 =	simm.s32 @!p4 $0x0;
	p4 =	sgt.s32 @!p1 s23, $0x0  }
0x35: {  	s19 =	ssub.s32 @!p1 $0x14, s19;
	p3 =	por !p4, p1;
	s1 =	smul.u32 @!p1 s20, s1  }
0x36: {  	s23 =	sadd.s32 $0x1, s14;
	p4 =	por !p2, p1;
	s19 =	simm.s32 @!p3 $0x0  }
0x37: {  	p2 =	sgt.s32 s23, $0x2;
	s1 =	smul.u32 @!p1 s19, s1;
	s19 =	simm.s32 $0x1  }
0x38: {  	s27 =	smov.u32 s17;
	p0 =	por !p0, !p0;
	s19 =	simm.s32 @!p2 $0x0  }
0x39: {  	s26 =	simm.s32 @!p1 $0x2;
	s21 =	ssub.s32 @!p1 $0x3, s21;
	s24 =	sadd.s32 s19, s15  }
0x3a: {  	s22 =	smov.u32 s13;
	s19 =	sadd.s32 $0x200, s16;
	p3 =	sgt.s32 s24, $0x13  }
0x3b: {  	s13 =	smov.u32 s17;
	s20 =	smov.u32 s12;
	s25 =	smov.u32 @p3 s19  }
0x3c: {  	s21 =	simm.s32 @!p4 $0x0;
	s19 =	sadd.s32 $0x8, s17;
	p4 =	sgt.s32 s25, $0x3FF  }
0x3d: {  	s12 =	smov.u32 s16;
	s23 =	simm.s32 @p2 $0x0;
	s27 =	smov.u32 @p4 s19  }
0x3e: {  	s1 =	smul.u32 @!p1 s21, s1;
	s21 =	smov.u32 s10;
	p2 =	sgt.s32 s27, $0x7  }
0x3f: {  	s10 =	smov.u32 s14;
	s27 =	smov.u32 @p2 s7;
	p2 =	sne.s32 s18, s8  }
.Ltmp1:
0x40: {  	s14 =	smov.u32 s23;
	s1 =	sand.u32 @!p1 $0x3FFFFFF0, s1;
	(pc) =	sbr.rel @!p2 .LBB1_6-.Ltmp1, $4  }
0x41: {  	s24 =	simm.s32 @p3 $0x0;
	_ =	swait.ge @!p1 [sflag:s26], s1;
	s1 =	ssub.s32 @!p1 $0x0, s1  }
0x42: {  	[sflag:s26] =	ssyncset.done @!p1 $0x0;
	s25 =	smov.u32 @p4 s2;
	s19 =	smov.u32 s11  }
0x43: {  	s11 =	smov.u32 s15;
	s15 =	smov.u32 s24;
	[sflag:s26] =	ssyncadd.s32 @!p1 s1  }
0x44: {  	s16 =	smov.u32 s25;
	s18 =	sadd.s32 $0x1, s18;
	s17 =	smov.u32 s27  }
.LBB1_1:
0x45: {  	p1 =	sge.u32 s18, s6  }
0x46: {  	s23 =	smul.u32 @!p1 $0x140000, s17  }
0x47: {  	s31 =	sadd.s32 $0xFFFFFFFF, s18;
	s25 =	smul.u32 @!p1 $0x500, s16  }
0x48: {  	s24 =	sxor.u32 @!p1 $0xFFFFFFFF, s18;
	s26 =	sshll.u32 @!p1 s15, $0x6;
	s23 =	sadd.s32 @!p1 s3, s23  }
0x49: {  	s27 =	sshll.u32 @!p1 s14, $0x4;
	s24 =	sshll.u32 @!p1 s24, $0xD;
	s23 =	sadd.s32 @!p1 s25, s23  }
0x4a: {  	s24 =	sand.u32 @!p1 $0x2000, s24;
	s25 =	sand.u32 @!p1 $0x30, s27;
	s23 =	sadd.s32 @!p1 s26, s23  }
0x4b: {  	s26 =	simm.s32 @!p1 $0x2800;
	s23 =	sadd.s32 @!p1 s25, s23;
	s25 =	simm.s32 @!p1 $0x40  }
0x4c: {  	[tilespmem:s24], [sflag:$0x1] =	stream.strided.gather @!p1 [hbm4b:s23+s25], $0x2000, s26, s25, $0x38;
	[tilespmem:$0x8080] =	vst v63  }
0x4d: {  	p1 =	sge.u32 s31, s6  }
.Ltmp2:
0x4e: {  	_ = 	snop;
	(pc) =	sbr.rel @p1 .LBB1_5-.Ltmp2, $1  }
0x4f: {  	_ =	sdelay $0x3  }
0x50: {  	s23 =	simm.s32 $0x1  }
0x51: {  	_ =	swait.ge [sflag:s5], $0x2000;
	s23 =	simm.s32 @!p0 $0x0  }
0x52: {  	[sflag:s5] =	ssyncset.done $0x0;
	s24 =	sshll.u32 s23, $0xD  }
0x53: {  	[sflag:s5] =	ssyncadd.s32 $0xFFFFE000;
	s27 =	sor.u32 $0x20, s24  }
0x54: {  	s23 =	smul.u32 $0x8100, s23;
	v3 =	vld [tilespmem:s27+$0x10]  }
0x55: {  	s30 =	sand.u32 $0x1, s18;
	v2 =	vld [tilespmem:s27+$0xFFFFFFF0]  }
0x56: {  	s24 =	smul.u32 $0x8100, s30;
	s23 =	sshrl.u32 s23, $0x2;
	v0 =	vld [tilespmem:s27+$0x0]  }
0x57: {  	v1 =	vld [tilespmem:s27+$0xFFFFFFE0];
	s25 =	sor.u32 $0x4000, s23  }
0x58: {  	s31 =	sshrl.u32 s24, $0x2;
	s24 =	sadd.s32 $0x0, s25  }
0x59: {  	s26 =	simm.s32 $0x4;
	s27 =	sadd.s32 $0x40, s27;
	s23 =	sor.u32 $0x4000, s31;
	[tilespmem:s24+$0x1830 ss:$0x81] =	vst.msk $0xffff, v3  }
.LBB1_3:
0x5a: {  	v3 =	vld [tilespmem:s27+$0x10];
	p1 =	sne.s32 s26, $0x1FC;
	[tilespmem:s24+$0x810 ss:$0x81] =	vst.msk $0xffff, v2;
	s28 =	smov.u32 s26;
	s26 =	sadd.s32 $0x4, s26  }
.Ltmp3:
0x5b: {  	v2 =	vld [tilespmem:s27+$0xFFFFFFF0];
	[tilespmem:s24+$0x1020 ss:$0x81] =	vst.msk $0xffff, v0;
	(pc) =	sbr.rel @p1 .LBB1_3-.Ltmp3, $4  }
0x5c: {  	v0 =	vld [tilespmem:s27+$0x0];
	[tilespmem:s24+$0x0 ss:$0x81] =	vst.msk $0xffff, v1  }
0x5d: {  	s24 =	sshra.s32 s28, $0x2;
	v1 =	vld [tilespmem:s27+$0xFFFFFFE0]  }
0x5e: {  	s24 =	sadd.s32 s24, s25  }
0x5f: {  	s27 =	sadd.s32 $0x40, s27;
	[tilespmem:s24+$0x1830 ss:$0x81] =	vst.msk $0xffff, v3  }
.Ltmp4:
0x60: {  	_ = 	snop;
	(pc) =	sbr.rel .LBB1_4-.Ltmp4, $1  }
0x61: {  	_ =	sdelay $0x3  }
.LBB1_6:
0x62: {  	_ =	sfence.sel $0x180000  }
0x63: {  	s1 =	simm.s32 $0x1;
	[bflag:$0x0] =	sbarrier.arrive $0xFFFF  }
0x64: {  	s31 =	simm.s32 $0x2;
	[sflag:s1] =	ssyncpa.u1 $0x1  }
0x65: {  	[sflag:s31] =	ssyncpa.u1 $0x1  }
0x66: {  	_ =	strace $0x9000004D  }
0x67: {  	[bflag:$0x2] =	sbarrier.arrive $0xFFFF  }
0x68: {  	p0 =	sne.s32 s0, $0x0;
	s0 =	rddreg [dreg:$0x1]  }
0x69: {  	s0 =	sadd.s32 @!p0 $0x100000, s0  }
0x6a: {  	[sflag:s0] =	ssyncadd.tile.s32 @!p0 $0x1;
	_ =	shalt  }
.Lfunc_end1:
_tile_overlayer_lowered:
.L_overlay_start_2:
0x6b: {  	(tag) =	ssettag $0x2  }
0x6c: {  	s0 =	rddreg [dreg:$0x0];
	s2 =	stileid.u32  }
0x6d: {  	s1 =	rddreg [dreg:$0x1];
	p0 =	sne.s32 s2, $0x0  }
0x6e: {  	s3 =	rddreg [dreg:$0x2];
	[bflag:$0x3] =	sbarrier.arrive $0xFFFF;
	s2 =	simm.s32 @!p0 $0x1C01  }
0x6f: {  	[timem:s3], [sflag:s2] =	dma.local @!p0 [hbm:s0], s1  }
0x70: {  	s0 =	simm.s32 @!p0 $0x1  }
0x71: {  	_ =	swait.ge @!p0 [sflag:s0], s1  }
0x72: {  	s1 =	ssub.s32 @!p0 $0x0, s1;
	[sflag:s0] =	ssyncset.done @!p0 $0x0  }
0x73: {  	[sflag:s0] =	ssyncadd.s32 @!p0 s1  }
0x74: {  	[bflag:$0x3] =	sbarrier.arrive $0xFFFF  }
0x75: {  	_ =	shalt  }

// kernel: sparse-core-data-format-call.2.cloned.1.call-start
scs
called_computation.2_lowered:
.L_overlay_start_0:
0x0: {  	s1 =	sld [smem:$0x3FD9]  }
0x1: {  	s2 =	sld [smem:$0x3FFE];
	_ =	sdelay $0x1  }
0x2: {  	s3 =	srdreg.scid  }
0x3: {  	s0 =	sand.u32 $0x1, s3  }
0x4: {  	s17 =	sshll.u32 s0, $0xA;
	s1 =	sadd.s32 s2, s1  }
0x5: {  	s1 =	sadd.s32 s1, s17  }
0x6: {  	[smem:$0x3FB2] =	sst s1  }
0x7: {  	_ = 	snop  }
0x8: {  	(tm) =	ssettm $0x1  }
0x9: {  	s18 =	sld [smem:$0x3FFB];
	_ =	sdelay $0x3  }
0xa: {  	_ =	strace s18  }
0xb: {  	s1 =	sld [smem:$0x3FFC];
	_ =	sdelay $0x3  }
0xc: {  	_ =	strace s1  }
0xd: {  	s1 =	sld [smem:$0x3FFD];
	_ =	sdelay $0x3  }
0xe: {  	_ =	strace s1  }
0xf: {  	_ =	strace $0x8FFFFFFF  }
0x10: {  	s19 =	sld [smem:$0x3FDB];
	_ =	sdelay $0x1  }
0x11: {  	s20 =	simm.s32 $_scs_section_size  }
0x12: {  	s4 =	simm.s32 $_size__tile_overlayer_lowered;
	s5 =	simm.s32 $_tile_overlayer_lowered  }
0x13: {  	s23 =	simm.s32 $0x1BFF;
	s22 =	sshll.u32 s5, $0x1;
	s1 =	sadd.s32 s20, s19  }
0x14: {  	s6 =	simm.s32 $0x0;
	s21 =	sshll.u32 s4, $0x1;
	s4 =	sadd.s32 s22, s1  }
0x15: {  	[timem:s6], [sflag:s23] =	dma.local [hbm:s4], s21  }
0x16: {  	_ =	swait.ge [sflag:s23], s21  }
0x17: {  	s2 =	ssub.s32 $0x0, s21;
	[sflag:s23] =	ssyncset.done $0x0  }
0x18: {  	[sflag:s23] =	ssyncadd.s32 s2;
	_ =	sdelay $0x1  }
0x19: {  	s24 =	simm.s32 $0x1B8B  }
0x1a: {  	_ =	swait.ge [sflag:s24], $0x1  }
0x1b: {  	[sflag:s24] =	ssyncset.done $0x0  }
0x1c: {  	s26 =	simm.s32 $0x1B8E;
	s25 =	sld [smem:$0x3FFE];
	[sflag:s24] =	ssyncadd.s32 $0xFFFFFFFF  }
0x1d: {  	s27 =	simm.s32 $execute0_lowered;
	[smem:$0x3FD2] =	sst s26  }
0x1e: {  	s4 =	sshll.u32 s27, $0x1;
	_ =	strace $0x80000049;
	[dreg:$0x1] =	wrdreg $0xFFFFFFFF  }
0x1f: {  	s28 =	simm.s32 $_size_execute0_lowered;
	s1 =	sadd.s32 s1, s4;
	[dreg:$0x0] =	wrdreg $0x0  }
0x20: {  	s4 =	sshll.u32 s28, $0x1;
	[dreg:$0x2] =	wrdreg s1  }
0x21: {  	[dreg:$0x3] =	wrdreg s4  }
0x22: {  	[dreg:$0x4] =	wrdreg $0xC0  }
0x23: {  	_ =	task [dreg:s6], $0x5FFFF  }
0x24: {  	[dreg:$0x1] =	wrdreg $0xFFFFFFFF  }
0x25: {  	[dreg:$0x0] =	wrdreg $0x60  }
0x26: {  	[dreg:$0x2] =	wrdreg s25  }
0x27: {  	[dreg:$0x3] =	wrdreg $0x9  }
0x28: {  	_ =	task.clear_ibuf [dreg:s6], $0x4FFFF;
	_ =	strace $0x90000049  }
0x29: {  	s29 =	simm.s32 $0x9;
	_ =	strace $0x8000004B  }
0x2a: {  	_ =	swait.ge [sflag:s29], $0x1  }
0x2b: {  	[sflag:s29] =	ssyncadd.s32 $0xFFFFFFFF  }
0x2c: {  	_ =	strace $0x9000004B  }
0x2d: {  	_ =	sfence  }
0x2e: {  	s30 =	sld [smem:$0x0];
	_ =	sdelay $0x2  }
0x2f: {  	s31 =	sshll.u32 s3, $0xD;
	s3 =	sshrl.u32 s3, $0x2  }
0x30: {  	s2 =	sand.u32 $0x4000, s31;
	s1 =	sadd.s32 s3, s30  }
0x31: {  	s0 =	sor.u32 s2, s0;
	s1 =	sshll.u32 s1, $0x11  }
0x32: {  	s0 =	sor.u32 s1, s0  }
0x33: {  	s0 =	sadd.s32 $0x8F2B, s0  }
0x34: {  	[sflag:s0] =	ssyncadd.remote.s32 $0x1  }
0x35: {  	_ =	sfence.sel $0xFFFF  }
0x36: {  	[dreg:$0x0] =	wrdreg $0xFFFFFFFF;
	(pc) =	sbr.abs _section_cstart, $3  }
0x37: {  	[dreg:$0x1] =	wrdreg $0xFFFFFFFF  }
0x38: {  	_ =	task.clear_ibuf [dreg:s6], $0x2FFFF;
	_ =	strace $0x9FFFFFFF  }
0x39: {  	(tm) =	ssettm $0x7FFFFFFF  }
tec
execute0_lowered:
.L_overlay_start_1:
0x0: {  	(tag) =	ssettag $0x1  }
0x1: {  	s3 =	stileid.u32;
	s0 =	rddreg [dreg:$0x0];
	_ =	strace $0x8000004A  }
0x2: {  	s25 =	srdreg.scid;
	s6 =	simm.s32 $0x1;
	s8 =	simm.s32 $0x2  }
0x3: {  	s16 =	simm.s32 $0x2800;
	s27 =	simm.s32 $0x0;
	s24 =	simm.s32 $0x0  }
0x4: {  	s28 =	simm.s32 $0x0;
	s18 =	simm.s32 $0x0;
	s20 =	simm.s32 $0x0  }
0x5: {  	s22 =	simm.s32 $0x0;
	s23 =	simm.s32 $0x0;
	s1 =	sshll.u32 s3, $0x7  }
0x6: {  	s5 =	sadd.s32 $0x24000, s0;
	s30 =	sadd.s32 $0xA24000, s0;
	s31 =	sadd.s32 $0x164000, s0  }
0x7: {  	s9 =	sadd.s32 $0x2A4000, s0;
	s10 =	sadd.s32 $0x3E4000, s0;
	s11 =	sadd.s32 $0x524000, s0  }
0x8: {  	s12 =	sadd.s32 $0x664000, s0;
	s13 =	sadd.s32 $0x7A4000, s0;
	s2 =	sand.u32 $0x380, s1  }
0x9: {  	s14 =	sadd.s32 $0x8E4000, s0;
	[dreg:$0x2] =	wrdreg s5;
	s4 =	ssub.s32 $0x400, s2  }
0xa: {  	s1 =	sshll.u32 s25, $0x4;
	[dreg:$0x3] =	wrdreg s30;
	s26 =	sand.u32 $0x380, s4  }
0xb: {  	s5 =	simm.s32 $0x1;
	[dreg:$0x4] =	wrdreg s31;
	p0 =	sne.s32 s26, $0x0  }
0xc: {  	s1 =	sand.u32 $0x10, s1;
	s7 =	sshrl.u32 s4, $0xA;
	s6 =	simm.s32 @!p0 $0x0  }
.Ltmp0:
0xd: {  	s1 =	sor.u32 s3, s1;
	s29 =	sadd.s32 s6, s7;
	(pc) =	sbr.rel .LBB1_1-.Ltmp0, $4  }
0xe: {  	s25 =	simm.s32 $0x0;
	s4 =	sshrl.u32 s1, $0x3;
	s6 =	smul.u32 $0x3C, s29  }
0xf: {  	[sflag:s5] =	ssyncpa.u1 $0x0;
	s21 =	smov.u32 s2;
	p0 =	seq.s32 s4, $0x3  }
0x10: {  	[sflag:s8] =	ssyncpa.u1 $0x0;
	s26 =	simm.s32 $0x0;
	s6 =	simm.s32 @p0 $0x0  }
0x11: {  	s19 =	smov.u32 s4;
	p0 =	por $0x0, $0x0;
	s15 =	sor.u32 $0x1, s6  }
.LBB1_9:
0x12: {  	s0 =	sadd.s32 $0x8, s18  }
0x13: {  	s1 =	sadd.s32 $0x4, s19;
	s3 =	smov.u32 s19;
	p2 =	sgt.s32 s0, $0x14  }
0x14: {  	s3 =	smov.u32 @p2 s1  }
0x15: {  	s1 =	simm.s32 $0x1;
	p3 =	sgt.s32 s3, $0x2  }
0x16: {  	s1 =	simm.s32 @!p3 $0x0  }
0x17: {  	s1 =	sadd.s32 s1, s20  }
0x18: {  	s7 =	sadd.s32 $0x400, s21;
	s8 =	smov.u32 s21;
	p4 =	sgt.s32 s1, $0x13  }
0x19: {  	p1 =	slt.u32 s23, $0x2;
	s17 =	smov.u32 s22;
	s8 =	smov.u32 @p4 s7  }
0x1a: {  	s25 =	smov.u32 s18;
	s7 =	sadd.s32 $0x8, s22;
	p5 =	sgt.s32 s8, $0x3FF  }
0x1b: {  	s26 =	smov.u32 s19;
	s27 =	smov.u32 s20;
	s17 =	smov.u32 @p5 s7  }
0x1c: {  	s24 =	smov.u32 s21;
	s0 =	simm.s32 @p2 $0x0;
	p2 =	sgt.s32 s17, $0x7  }
0x1d: {  	s28 =	smov.u32 s22;
	s17 =	simm.s32 @p2 $0x0;
	p2 =	sne.s32 s23, s15  }
.Ltmp1:
0x1e: {  	p0 =	por !p0, !p0;
	s3 =	smov.u32 @p3 s4;
	(pc) =	sbr.rel @!p2 .LBB1_10-.Ltmp1, $4  }
0x1f: {  	s18 =	smov.u32 s0;
	s19 =	smov.u32 s3;
	s7 =	simm.s32 @!p1 $0x2  }
0x20: {  	s1 =	simm.s32 @p4 $0x0;
	s8 =	smov.u32 @p5 s2;
	_ =	swait.ge @!p1 [sflag:s7], $0x2000  }
0x21: {  	s20 =	smov.u32 s1;
	s21 =	smov.u32 s8;
	[sflag:s7] =	ssyncset.done @!p1 $0x0  }
0x22: {  	s23 =	sadd.s32 $0x1, s23;
	[sflag:s7] =	ssyncadd.s32 @!p1 $0xFFFFE000;
	s22 =	smov.u32 s17  }
.LBB1_1:
0x23: {  	p1 =	sge.u32 s23, s6  }
.Ltmp2:
0x24: {  	_ = 	snop;
	(pc) =	sbr.rel @p1 .LBB1_3-.Ltmp2, $1  }
0x25: {  	_ =	sdelay $0x3  }
0x26: {  	s0 =	smul.u32 $0x140000, s22  }
0x27: {  	s1 =	smul.u32 $0x500, s21;
	s17 =	sxor.u32 $0xFFFFFFFF, s23  }
0x28: {  	s29 =	sshll.u32 s19, $0x4;
	s31 =	sshll.u32 s20, $0x6;
	s3 =	rddreg [dreg:$0x2]  }
0x29: {  	s8 =	sshrl.u32 s18, $0x3;
	s7 =	sand.u32 $0x7, s18;
	s30 =	sadd.s32 s0, s1  }
0x2a: {  	s17 =	sshll.u32 s17, $0xD;
	s29 =	sand.u32 $0x30, s29;
	s30 =	sadd.s32 s3, s30  }
0x2b: {  	s7 =	sshll.u32 s7, $0x12;
	s17 =	sand.u32 $0x2000, s17;
	s30 =	sadd.s32 s31, s30  }
0x2c: {  	s3 =	sand.u32 $0xF, s8;
	s8 =	rddreg [dreg:$0x4];
	s30 =	sadd.s32 s29, s30  }
0x2d: {  	s7 =	sor.u32 $0x8, s7;
	s8 =	sadd.s32 s0, s8;
	s30 =	sadd.s32 s3, s30  }
0x2e: {  	[tilespmem:s17], [sflag:$0x1] =	stream.strided.gather [hbm4b:s30+s7], $0x400, s16, s7, $0x38;
	[tilespmem:$0x8080] =	vst v63  }
0x2f: {  	s30 =	sadd.s32 s1, s8  }
0x30: {  	s30 =	sadd.s32 s31, s30  }
0x31: {  	s30 =	sadd.s32 s29, s30  }
0x32: {  	s8 =	sor.u32 $0x400, s17;
	s30 =	sadd.s32 s3, s30  }
0x33: {  	[tilespmem:s8], [sflag:$0x1] =	stream.strided.gather [hbm4b:s30+s7], $0x400, s16, s7, $0x38;
	[tilespmem:$0x8080] =	vst v63  }
0x34: {  	s30 =	sadd.s32 s0, s9  }
0x35: {  	s8 =	sadd.s32 s1, s30  }
0x36: {  	s8 =	sadd.s32 s31, s8  }
0x37: {  	s8 =	sadd.s32 s29, s8  }
0x38: {  	s30 =	sor.u32 $0x800, s17;
	s8 =	sadd.s32 s3, s8  }
0x39: {  	[tilespmem:s30], [sflag:$0x1] =	stream.strided.gather [hbm4b:s8+s7], $0x400, s16, s7, $0x38;
	[tilespmem:$0x8080] =	vst v63  }
0x3a: {  	s30 =	sadd.s32 s0, s10  }
0x3b: {  	s8 =	sadd.s32 s1, s30  }
0x3c: {  	s8 =	sadd.s32 s31, s8  }
0x3d: {  	s8 =	sadd.s32 s29, s8  }
0x3e: {  	s30 =	sor.u32 $0xC00, s17;
	s8 =	sadd.s32 s3, s8  }
0x3f: {  	[tilespmem:s30], [sflag:$0x1] =	stream.strided.gather [hbm4b:s8+s7], $0x400, s16, s7, $0x38;
	[tilespmem:$0x8080] =	vst v63  }
0x40: {  	s30 =	sadd.s32 s0, s11  }
0x41: {  	s8 =	sadd.s32 s1, s30  }
0x42: {  	s8 =	sadd.s32 s31, s8  }
0x43: {  	s8 =	sadd.s32 s29, s8  }
0x44: {  	s30 =	sor.u32 $0x1000, s17;
	s8 =	sadd.s32 s3, s8  }
0x45: {  	[tilespmem:s30], [sflag:$0x1] =	stream.strided.gather [hbm4b:s8+s7], $0x400, s16, s7, $0x38;
	[tilespmem:$0x8080] =	vst v63  }
0x46: {  	s30 =	sadd.s32 s0, s12  }
0x47: {  	s8 =	sadd.s32 s1, s30  }
0x48: {  	s8 =	sadd.s32 s31, s8  }
0x49: {  	s8 =	sadd.s32 s29, s8  }
0x4a: {  	s30 =	sor.u32 $0x1400, s17;
	s8 =	sadd.s32 s3, s8  }
0x4b: {  	[tilespmem:s30], [sflag:$0x1] =	stream.strided.gather [hbm4b:s8+s7], $0x400, s16, s7, $0x38;
	[tilespmem:$0x8080] =	vst v63  }
0x4c: {  	s30 =	sadd.s32 s0, s13  }
0x4d: {  	s0 =	sadd.s32 s0, s14;
	s8 =	sadd.s32 s1, s30  }
0x4e: {  	s0 =	sadd.s32 s1, s0;
	s8 =	sadd.s32 s31, s8  }
0x4f: {  	s0 =	sadd.s32 s31, s0;
	s8 =	sadd.s32 s29, s8  }
0x50: {  	s30 =	sor.u32 $0x1800, s17;
	s0 =	sadd.s32 s29, s0;
	s8 =	sadd.s32 s3, s8  }
0x51: {  	[tilespmem:s30], [sflag:$0x1] =	stream.strided.gather [hbm4b:s8+s7], $0x400, s16, s7, $0x38;
	[tilespmem:$0x8080] =	vst v63  }
0x52: {  	s31 =	sor.u32 $0x1C00, s17;
	s0 =	sadd.s32 s3, s0  }
0x53: {  	[tilespmem:s31], [sflag:$0x1] =	stream.strided.gather [hbm4b:s0+s7], $0x400, s16, s7, $0x38;
	[tilespmem:$0x8080] =	vst v63  }
.LBB1_3:
0x54: {  	s0 =	sadd.s32 $0xFFFFFFFF, s23  }
0x55: {  	p1 =	sge.u32 s0, s6  }
.Ltmp3:
0x56: {  	_ = 	snop;
	(pc) =	sbr.rel @p1 .LBB1_9-.Ltmp3, $1  }
0x57: {  	_ =	sdelay $0x3  }
0x58: {  	s0 =	simm.s32 $0x1;
	s3 =	sand.u32 $0x1, s23  }
0x59: {  	s0 =	simm.s32 @!p0 $0x0;
	s3 =	smul.u32 $0x8100, s3  }
0x5a: {  	_ =	swait.ge [sflag:s5], $0x2000;
	s1 =	smul.u32 $0x8100, s0  }
0x5b: {  	[sflag:s5] =	ssyncset.done $0x0;
	s30 =	sshll.u32 s0, $0xD  }
0x5c: {  	[sflag:s5] =	ssyncadd.s32 $0xFFFFE000;
	s31 =	sshrl.u32 s3, $0x2;
	s17 =	sshrl.u32 s1, $0x2  }
0x5d: {  	s29 =	sor.u32 $0x4000, s31;
	s1 =	simm.s32 $0x0;
	s0 =	sor.u32 $0x4000, s17  }
.LBB1_5:
0x5e: {  	v0 =	vmov s30;
	_ =	sdelay $0x3  }
0x5f: {  	s3 =	simm.s32 $0x0  }
0x60: {  	v1 =	vld.idx.msk [tilespmem:v0+s3+$0x0 ss:$0x1], $0xff;
	_ =	sdelay $0x2  }
0x61: {  	s17 =	simm.s32 $0x20;
	s31 =	smov.u32 s0  }
.LBB1_6:
0x62: {  	s3 =	sshra.s32 s17, $0x2;
	p1 =	sne.s32 s17, $0xFE0;
	s17 =	sadd.s32 $0x20, s17  }
.Ltmp4:
0x63: {  	[tilespmem:s31+$0x0 ss:$0x81] =	vst.msk $0xff, v1;
	v1 =	vld.idx.msk [tilespmem:v0+s3+$0x0 ss:$0x1], $0xff;
	(pc) =	sbr.rel @p1 .LBB1_6-.Ltmp4, $2  }
0x64: {  	_ =	sdelay $0x2  }
0x65: {  	s31 =	sadd.s32 $0x1, s31  }
0x66: {  	s1 =	sadd.s32 $0x1, s1  }
0x67: {  	p1 =	sne.s32 s1, $0x8  }
.Ltmp5:
0x68: {  	_ = 	snop;
	(pc) =	sbr.rel @p1 .LBB1_5-.Ltmp5, $2  }
0x69: {  	_ =	sdelay $0x2  }
0x6a: {  	[tilespmem:s31+$0x0 ss:$0x81] =	vst.msk $0xff, v1;
	s30 =	sadd.s32 $0x400, s30;
	s0 =	sadd.s32 $0x408, s0  }
0x6b: {  	s0 =	sshll.u32 s25, $0xA;
	s1 =	sshll.u32 s24, $0x3  }
0x6c: {  	s0 =	sand.u32 $0xFFFFE000, s0;
	s1 =	sand.u32 $0xFFFFFC00, s1  }
0x6d: {  	s0 =	sadd.s32 s1, s0  }
0x6e: {  	s0 =	sshrl.u32 s0, $0xA  }
0x6f: {  	s17 =	smulhi.u32 $0xAAAAAAB, s0  }
0x70: {  	s3 =	smul.u32 $0x2D000, s28  }
0x71: {  	s7 =	sand.u32 $0x78, s24;
	s8 =	sshll.u32 s25, $0x7;
	s1 =	smul.u32 $0x18, s17  }
0x72: {  	s31 =	rddreg [dreg:$0x3];
	s8 =	sand.u32 $0x380, s8;
	s17 =	smul.u32 $0xC00, s27  }
0x73: {  	s30 =	smul.u32 $0xF000, s26;
	s3 =	sadd.s32 s31, s3;
	s7 =	sor.u32 s7, s8  }
.Ltmp6:
0x74: {  	s26 =	sshrl.u32 s7, $0x3;
	s17 =	sadd.s32 s17, s3;
	(pc) =	sbr.rel .LBB1_9-.Ltmp6, $4  }
0x75: {  	s27 =	sand.u32 $0x7, s24;
	s0 =	ssub.s32 s0, s1;
	s1 =	sadd.s32 s30, s17  }
0x76: {  	s28 =	sshll.u32 s27, $0x12;
	s0 =	sshll.u32 s0, $0x7;
	s1 =	sadd.s32 s26, s1  }
0x77: {  	s31 =	simm.s32 $0x168000;
	s30 =	sor.u32 $0x400, s28;
	s0 =	sadd.s32 s0, s1  }
0x78: {  	[hbm4b:s0+s30] =	stream.strided.scatter [tilespmem:s29], [sflag:$0x2], $0x2000, s31, s30, $0x20;
	[tilespmem:$0x8080] =	vst v63  }
.LBB1_10:
0x79: {  	_ =	sfence.sel $0x180000  }
0x7a: {  	s0 =	simm.s32 $0x1;
	[bflag:$0x0] =	sbarrier.arrive $0xFFFF  }
0x7b: {  	s30 =	simm.s32 $0x2;
	[sflag:s0] =	ssyncpa.u1 $0x1  }
0x7c: {  	[sflag:s30] =	ssyncpa.u1 $0x1  }
0x7d: {  	_ =	strace $0x9000004A  }
0x7e: {  	s31 =	stileid.u32;
	[bflag:$0x2] =	sbarrier.arrive $0xFFFF  }
0x7f: {  	p0 =	sne.s32 s31, $0x0;
	s0 =	rddreg [dreg:$0x1]  }
0x80: {  	s0 =	sadd.s32 @!p0 $0x100000, s0  }
0x81: {  	[sflag:s0] =	ssyncadd.tile.s32 @!p0 $0x1;
	_ =	shalt  }
.Lfunc_end1:
_tile_overlayer_lowered:
.L_overlay_start_2:
0x82: {  	(tag) =	ssettag $0x2  }
0x83: {  	s0 =	rddreg [dreg:$0x0];
	s2 =	stileid.u32  }
0x84: {  	s1 =	rddreg [dreg:$0x1];
	p0 =	sne.s32 s2, $0x0  }
0x85: {  	s3 =	rddreg [dreg:$0x2];
	[bflag:$0x3] =	sbarrier.arrive $0xFFFF;
	s2 =	simm.s32 @!p0 $0x1C01  }
0x86: {  	[timem:s3], [sflag:s2] =	dma.local @!p0 [hbm:s0], s1  }
0x87: {  	s0 =	simm.s32 @!p0 $0x1  }
0x88: {  	_ =	swait.ge @!p0 [sflag:s0], s1  }
0x89: {  	s1 =	ssub.s32 @!p0 $0x0, s1;
	[sflag:s0] =	ssyncset.done @!p0 $0x0  }
0x8a: {  	[sflag:s0] =	ssyncadd.s32 @!p0 s1  }
0x8b: {  	[bflag:$0x3] =	sbarrier.arrive $0xFFFF  }
0x8c: {  	_ =	shalt  }

// kernel: sparse-core-data-format-call.3.cloned.1.call-start
scs
called_computation.3_lowered:
.L_overlay_start_0:
0x0: {  	s1 =	sld [smem:$0x3FD9]  }
0x1: {  	s2 =	sld [smem:$0x3FFE];
	_ =	sdelay $0x1  }
0x2: {  	s3 =	srdreg.scid  }
0x3: {  	s0 =	sand.u32 $0x1, s3  }
0x4: {  	s17 =	sshll.u32 s0, $0xA;
	s1 =	sadd.s32 s2, s1  }
0x5: {  	s1 =	sadd.s32 s1, s17  }
0x6: {  	[smem:$0x3FB2] =	sst s1  }
0x7: {  	_ = 	snop  }
0x8: {  	(tm) =	ssettm $0x1  }
0x9: {  	s18 =	sld [smem:$0x3FFB];
	_ =	sdelay $0x3  }
0xa: {  	_ =	strace s18  }
0xb: {  	s1 =	sld [smem:$0x3FFC];
	_ =	sdelay $0x3  }
0xc: {  	_ =	strace s1  }
0xd: {  	s1 =	sld [smem:$0x3FFD];
	_ =	sdelay $0x3  }
0xe: {  	_ =	strace s1  }
0xf: {  	_ =	strace $0x8FFFFFFF  }
0x10: {  	s19 =	sld [smem:$0x3FDB];
	_ =	sdelay $0x1  }
0x11: {  	s20 =	simm.s32 $_scs_section_size  }
0x12: {  	s4 =	simm.s32 $_size__tile_overlayer_lowered;
	s5 =	simm.s32 $_tile_overlayer_lowered  }
0x13: {  	s23 =	simm.s32 $0x1BFF;
	s22 =	sshll.u32 s5, $0x1;
	s1 =	sadd.s32 s20, s19  }
0x14: {  	s6 =	simm.s32 $0x0;
	s21 =	sshll.u32 s4, $0x1;
	s4 =	sadd.s32 s22, s1  }
0x15: {  	[timem:s6], [sflag:s23] =	dma.local [hbm:s4], s21  }
0x16: {  	_ =	swait.ge [sflag:s23], s21  }
0x17: {  	s2 =	ssub.s32 $0x0, s21;
	[sflag:s23] =	ssyncset.done $0x0  }
0x18: {  	[sflag:s23] =	ssyncadd.s32 s2;
	_ =	sdelay $0x1  }
0x19: {  	s24 =	simm.s32 $0x1B8B  }
0x1a: {  	_ =	swait.ge [sflag:s24], $0x1  }
0x1b: {  	[sflag:s24] =	ssyncset.done $0x0  }
0x1c: {  	s26 =	simm.s32 $0x1B8E;
	s25 =	sld [smem:$0x3FFE];
	[sflag:s24] =	ssyncadd.s32 $0xFFFFFFFF  }
0x1d: {  	s27 =	simm.s32 $execute0_lowered;
	[smem:$0x3FD2] =	sst s26  }
0x1e: {  	s4 =	sshll.u32 s27, $0x1;
	_ =	strace $0x80000046;
	[dreg:$0x1] =	wrdreg $0xFFFFFFFF  }
0x1f: {  	s28 =	simm.s32 $_size_execute0_lowered;
	s1 =	sadd.s32 s1, s4;
	[dreg:$0x0] =	wrdreg $0x0  }
0x20: {  	s4 =	sshll.u32 s28, $0x1;
	[dreg:$0x2] =	wrdreg s1  }
0x21: {  	[dreg:$0x3] =	wrdreg s4  }
0x22: {  	[dreg:$0x4] =	wrdreg $0xC0  }
0x23: {  	_ =	task [dreg:s6], $0x5FFFF  }
0x24: {  	[dreg:$0x1] =	wrdreg $0xFFFFFFFF  }
0x25: {  	[dreg:$0x0] =	wrdreg $0x60  }
0x26: {  	[dreg:$0x2] =	wrdreg s25  }
0x27: {  	[dreg:$0x3] =	wrdreg $0x9  }
0x28: {  	_ =	task.clear_ibuf [dreg:s6], $0x4FFFF;
	_ =	strace $0x90000046  }
0x29: {  	s29 =	simm.s32 $0x9;
	_ =	strace $0x80000048  }
0x2a: {  	_ =	swait.ge [sflag:s29], $0x1  }
0x2b: {  	[sflag:s29] =	ssyncadd.s32 $0xFFFFFFFF  }
0x2c: {  	_ =	strace $0x90000048  }
0x2d: {  	_ =	sfence  }
0x2e: {  	s30 =	sld [smem:$0x0];
	_ =	sdelay $0x2  }
0x2f: {  	s31 =	sshll.u32 s3, $0xD;
	s3 =	sshrl.u32 s3, $0x2  }
0x30: {  	s2 =	sand.u32 $0x4000, s31;
	s1 =	sadd.s32 s3, s30  }
0x31: {  	s0 =	sor.u32 s2, s0;
	s1 =	sshll.u32 s1, $0x11  }
0x32: {  	s0 =	sor.u32 s1, s0  }
0x33: {  	s0 =	sadd.s32 $0x8F2B, s0  }
0x34: {  	[sflag:s0] =	ssyncadd.remote.s32 $0x1  }
0x35: {  	_ =	sfence.sel $0xFFFF  }
0x36: {  	[dreg:$0x0] =	wrdreg $0xFFFFFFFF;
	(pc) =	sbr.abs _section_cstart, $3  }
0x37: {  	[dreg:$0x1] =	wrdreg $0xFFFFFFFF  }
0x38: {  	_ =	task.clear_ibuf [dreg:s6], $0x2FFFF;
	_ =	strace $0x9FFFFFFF  }
0x39: {  	(tm) =	ssettm $0x7FFFFFFF  }
tec
execute0_lowered:
.L_overlay_start_1:
0x0: {  	(tag) =	ssettag $0x1  }
0x1: {  	s3 =	stileid.u32;
	s0 =	rddreg [dreg:$0x0];
	_ =	strace $0x80000047  }
0x2: {  	s25 =	srdreg.scid;
	s6 =	simm.s32 $0x1;
	s8 =	simm.s32 $0x2  }
0x3: {  	s16 =	simm.s32 $0x2800;
	s27 =	simm.s32 $0x0;
	s24 =	simm.s32 $0x0  }
0x4: {  	s28 =	simm.s32 $0x0;
	s18 =	simm.s32 $0x0;
	s20 =	simm.s32 $0x0  }
0x5: {  	s22 =	simm.s32 $0x0;
	s23 =	simm.s32 $0x0;
	s1 =	sshll.u32 s3, $0x7  }
0x6: {  	s5 =	sadd.s32 $0x1B000, s0;
	s30 =	sadd.s32 $0xA1B000, s0;
	s31 =	sadd.s32 $0x15B000, s0  }
0x7: {  	s9 =	sadd.s32 $0x29B000, s0;
	s10 =	sadd.s32 $0x3DB000, s0;
	s11 =	sadd.s32 $0x51B000, s0  }
0x8: {  	s12 =	sadd.s32 $0x65B000, s0;
	s13 =	sadd.s32 $0x79B000, s0;
	s2 =	sand.u32 $0x380, s1  }
0x9: {  	s14 =	sadd.s32 $0x8DB000, s0;
	[dreg:$0x2] =	wrdreg s5;
	s4 =	ssub.s32 $0x400, s2  }
0xa: {  	s1 =	sshll.u32 s25, $0x4;
	[dreg:$0x3] =	wrdreg s30;
	s26 =	sand.u32 $0x380, s4  }
0xb: {  	s5 =	simm.s32 $0x1;
	[dreg:$0x4] =	wrdreg s31;
	p0 =	sne.s32 s26, $0x0  }
0xc: {  	s1 =	sand.u32 $0x10, s1;
	s7 =	sshrl.u32 s4, $0xA;
	s6 =	simm.s32 @!p0 $0x0  }
.Ltmp0:
0xd: {  	s1 =	sor.u32 s3, s1;
	s29 =	sadd.s32 s6, s7;
	(pc) =	sbr.rel .LBB1_1-.Ltmp0, $4  }
0xe: {  	s25 =	simm.s32 $0x0;
	s4 =	sshrl.u32 s1, $0x3;
	s6 =	smul.u32 $0x3C, s29  }
0xf: {  	[sflag:s5] =	ssyncpa.u1 $0x0;
	s21 =	smov.u32 s2;
	p0 =	seq.s32 s4, $0x3  }
0x10: {  	[sflag:s8] =	ssyncpa.u1 $0x0;
	s26 =	simm.s32 $0x0;
	s6 =	simm.s32 @p0 $0x0  }
0x11: {  	s19 =	smov.u32 s4;
	p0 =	por $0x0, $0x0;
	s15 =	sor.u32 $0x1, s6  }
.LBB1_9:
0x12: {  	s0 =	sadd.s32 $0x8, s18  }
0x13: {  	s1 =	sadd.s32 $0x4, s19;
	s3 =	smov.u32 s19;
	p2 =	sgt.s32 s0, $0x14  }
0x14: {  	s3 =	smov.u32 @p2 s1  }
0x15: {  	s1 =	simm.s32 $0x1;
	p3 =	sgt.s32 s3, $0x2  }
0x16: {  	s1 =	simm.s32 @!p3 $0x0  }
0x17: {  	s1 =	sadd.s32 s1, s20  }
0x18: {  	s7 =	sadd.s32 $0x400, s21;
	s8 =	smov.u32 s21;
	p4 =	sgt.s32 s1, $0x13  }
0x19: {  	p1 =	slt.u32 s23, $0x2;
	s17 =	smov.u32 s22;
	s8 =	smov.u32 @p4 s7  }
0x1a: {  	s25 =	smov.u32 s18;
	s7 =	sadd.s32 $0x8, s22;
	p5 =	sgt.s32 s8, $0x3FF  }
0x1b: {  	s26 =	smov.u32 s19;
	s27 =	smov.u32 s20;
	s17 =	smov.u32 @p5 s7  }
0x1c: {  	s24 =	smov.u32 s21;
	s0 =	simm.s32 @p2 $0x0;
	p2 =	sgt.s32 s17, $0x7  }
0x1d: {  	s28 =	smov.u32 s22;
	s17 =	simm.s32 @p2 $0x0;
	p2 =	sne.s32 s23, s15  }
.Ltmp1:
0x1e: {  	p0 =	por !p0, !p0;
	s3 =	smov.u32 @p3 s4;
	(pc) =	sbr.rel @!p2 .LBB1_10-.Ltmp1, $4  }
0x1f: {  	s18 =	smov.u32 s0;
	s19 =	smov.u32 s3;
	s7 =	simm.s32 @!p1 $0x2  }
0x20: {  	s1 =	simm.s32 @p4 $0x0;
	s8 =	smov.u32 @p5 s2;
	_ =	swait.ge @!p1 [sflag:s7], $0x2000  }
0x21: {  	s20 =	smov.u32 s1;
	s21 =	smov.u32 s8;
	[sflag:s7] =	ssyncset.done @!p1 $0x0  }
0x22: {  	s23 =	sadd.s32 $0x1, s23;
	[sflag:s7] =	ssyncadd.s32 @!p1 $0xFFFFE000;
	s22 =	smov.u32 s17  }
.LBB1_1:
0x23: {  	p1 =	sge.u32 s23, s6  }
.Ltmp2:
0x24: {  	_ = 	snop;
	(pc) =	sbr.rel @p1 .LBB1_3-.Ltmp2, $1  }
0x25: {  	_ =	sdelay $0x3  }
0x26: {  	s0 =	smul.u32 $0x140000, s22  }
0x27: {  	s1 =	smul.u32 $0x500, s21;
	s17 =	sxor.u32 $0xFFFFFFFF, s23  }
0x28: {  	s29 =	sshll.u32 s19, $0x4;
	s31 =	sshll.u32 s20, $0x6;
	s3 =	rddreg [dreg:$0x2]  }
0x29: {  	s8 =	sshrl.u32 s18, $0x3;
	s7 =	sand.u32 $0x7, s18;
	s30 =	sadd.s32 s0, s1  }
0x2a: {  	s17 =	sshll.u32 s17, $0xD;
	s29 =	sand.u32 $0x30, s29;
	s30 =	sadd.s32 s3, s30  }
0x2b: {  	s7 =	sshll.u32 s7, $0x12;
	s17 =	sand.u32 $0x2000, s17;
	s30 =	sadd.s32 s31, s30  }
0x2c: {  	s3 =	sand.u32 $0xF, s8;
	s8 =	rddreg [dreg:$0x4];
	s30 =	sadd.s32 s29, s30  }
0x2d: {  	s7 =	sor.u32 $0x8, s7;
	s8 =	sadd.s32 s0, s8;
	s30 =	sadd.s32 s3, s30  }
0x2e: {  	[tilespmem:s17], [sflag:$0x1] =	stream.strided.gather [hbm4b:s30+s7], $0x400, s16, s7, $0x38;
	[tilespmem:$0x8080] =	vst v63  }
0x2f: {  	s30 =	sadd.s32 s1, s8  }
0x30: {  	s30 =	sadd.s32 s31, s30  }
0x31: {  	s30 =	sadd.s32 s29, s30  }
0x32: {  	s8 =	sor.u32 $0x400, s17;
	s30 =	sadd.s32 s3, s30  }
0x33: {  	[tilespmem:s8], [sflag:$0x1] =	stream.strided.gather [hbm4b:s30+s7], $0x400, s16, s7, $0x38;
	[tilespmem:$0x8080] =	vst v63  }
0x34: {  	s30 =	sadd.s32 s0, s9  }
0x35: {  	s8 =	sadd.s32 s1, s30  }
0x36: {  	s8 =	sadd.s32 s31, s8  }
0x37: {  	s8 =	sadd.s32 s29, s8  }
0x38: {  	s30 =	sor.u32 $0x800, s17;
	s8 =	sadd.s32 s3, s8  }
0x39: {  	[tilespmem:s30], [sflag:$0x1] =	stream.strided.gather [hbm4b:s8+s7], $0x400, s16, s7, $0x38;
	[tilespmem:$0x8080] =	vst v63  }
0x3a: {  	s30 =	sadd.s32 s0, s10  }
0x3b: {  	s8 =	sadd.s32 s1, s30  }
0x3c: {  	s8 =	sadd.s32 s31, s8  }
0x3d: {  	s8 =	sadd.s32 s29, s8  }
0x3e: {  	s30 =	sor.u32 $0xC00, s17;
	s8 =	sadd.s32 s3, s8  }
0x3f: {  	[tilespmem:s30], [sflag:$0x1] =	stream.strided.gather [hbm4b:s8+s7], $0x400, s16, s7, $0x38;
	[tilespmem:$0x8080] =	vst v63  }
0x40: {  	s30 =	sadd.s32 s0, s11  }
0x41: {  	s8 =	sadd.s32 s1, s30  }
0x42: {  	s8 =	sadd.s32 s31, s8  }
0x43: {  	s8 =	sadd.s32 s29, s8  }
0x44: {  	s30 =	sor.u32 $0x1000, s17;
	s8 =	sadd.s32 s3, s8  }
0x45: {  	[tilespmem:s30], [sflag:$0x1] =	stream.strided.gather [hbm4b:s8+s7], $0x400, s16, s7, $0x38;
	[tilespmem:$0x8080] =	vst v63  }
0x46: {  	s30 =	sadd.s32 s0, s12  }
0x47: {  	s8 =	sadd.s32 s1, s30  }
0x48: {  	s8 =	sadd.s32 s31, s8  }
0x49: {  	s8 =	sadd.s32 s29, s8  }
0x4a: {  	s30 =	sor.u32 $0x1400, s17;
	s8 =	sadd.s32 s3, s8  }
0x4b: {  	[tilespmem:s30], [sflag:$0x1] =	stream.strided.gather [hbm4b:s8+s7], $0x400, s16, s7, $0x38;
	[tilespmem:$0x8080] =	vst v63  }
0x4c: {  	s30 =	sadd.s32 s0, s13  }
0x4d: {  	s0 =	sadd.s32 s0, s14;
	s8 =	sadd.s32 s1, s30  }
0x4e: {  	s0 =	sadd.s32 s1, s0;
	s8 =	sadd.s32 s31, s8  }
0x4f: {  	s0 =	sadd.s32 s31, s0;
	s8 =	sadd.s32 s29, s8  }
0x50: {  	s30 =	sor.u32 $0x1800, s17;
	s0 =	sadd.s32 s29, s0;
	s8 =	sadd.s32 s3, s8  }
0x51: {  	[tilespmem:s30], [sflag:$0x1] =	stream.strided.gather [hbm4b:s8+s7], $0x400, s16, s7, $0x38;
	[tilespmem:$0x8080] =	vst v63  }
0x52: {  	s31 =	sor.u32 $0x1C00, s17;
	s0 =	sadd.s32 s3, s0  }
0x53: {  	[tilespmem:s31], [sflag:$0x1] =	stream.strided.gather [hbm4b:s0+s7], $0x400, s16, s7, $0x38;
	[tilespmem:$0x8080] =	vst v63  }
.LBB1_3:
0x54: {  	s0 =	sadd.s32 $0xFFFFFFFF, s23  }
0x55: {  	p1 =	sge.u32 s0, s6  }
.Ltmp3:
0x56: {  	_ = 	snop;
	(pc) =	sbr.rel @p1 .LBB1_9-.Ltmp3, $1  }
0x57: {  	_ =	sdelay $0x3  }
0x58: {  	s0 =	simm.s32 $0x1;
	s3 =	sand.u32 $0x1, s23  }
0x59: {  	s0 =	simm.s32 @!p0 $0x0;
	s3 =	smul.u32 $0x8100, s3  }
0x5a: {  	_ =	swait.ge [sflag:s5], $0x2000;
	s1 =	smul.u32 $0x8100, s0  }
0x5b: {  	[sflag:s5] =	ssyncset.done $0x0;
	s30 =	sshll.u32 s0, $0xD  }
0x5c: {  	[sflag:s5] =	ssyncadd.s32 $0xFFFFE000;
	s31 =	sshrl.u32 s3, $0x2;
	s17 =	sshrl.u32 s1, $0x2  }
0x5d: {  	s29 =	sor.u32 $0x4000, s31;
	s1 =	simm.s32 $0x0;
	s0 =	sor.u32 $0x4000, s17  }
.LBB1_5:
0x5e: {  	v0 =	vmov s30;
	_ =	sdelay $0x3  }
0x5f: {  	s3 =	simm.s32 $0x0  }
0x60: {  	v1 =	vld.idx.msk [tilespmem:v0+s3+$0x0 ss:$0x1], $0xff;
	_ =	sdelay $0x2  }
0x61: {  	s17 =	simm.s32 $0x20;
	s31 =	smov.u32 s0  }
.LBB1_6:
0x62: {  	s3 =	sshra.s32 s17, $0x2;
	p1 =	sne.s32 s17, $0xFE0;
	s17 =	sadd.s32 $0x20, s17  }
.Ltmp4:
0x63: {  	[tilespmem:s31+$0x0 ss:$0x81] =	vst.msk $0xff, v1;
	v1 =	vld.idx.msk [tilespmem:v0+s3+$0x0 ss:$0x1], $0xff;
	(pc) =	sbr.rel @p1 .LBB1_6-.Ltmp4, $2  }
0x64: {  	_ =	sdelay $0x2  }
0x65: {  	s31 =	sadd.s32 $0x1, s31  }
0x66: {  	s1 =	sadd.s32 $0x1, s1  }
0x67: {  	p1 =	sne.s32 s1, $0x8  }
.Ltmp5:
0x68: {  	_ = 	snop;
	(pc) =	sbr.rel @p1 .LBB1_5-.Ltmp5, $2  }
0x69: {  	_ =	sdelay $0x2  }
0x6a: {  	[tilespmem:s31+$0x0 ss:$0x81] =	vst.msk $0xff, v1;
	s30 =	sadd.s32 $0x400, s30;
	s0 =	sadd.s32 $0x408, s0  }
0x6b: {  	s0 =	sshll.u32 s25, $0xA;
	s1 =	sshll.u32 s24, $0x3  }
0x6c: {  	s0 =	sand.u32 $0xFFFFE000, s0;
	s1 =	sand.u32 $0xFFFFFC00, s1  }
0x6d: {  	s0 =	sadd.s32 s1, s0  }
0x6e: {  	s0 =	sshrl.u32 s0, $0xA  }
0x6f: {  	s17 =	smulhi.u32 $0xAAAAAAB, s0  }
0x70: {  	s3 =	smul.u32 $0x2D000, s28  }
0x71: {  	s7 =	sand.u32 $0x78, s24;
	s8 =	sshll.u32 s25, $0x7;
	s1 =	smul.u32 $0x18, s17  }
0x72: {  	s31 =	rddreg [dreg:$0x3];
	s8 =	sand.u32 $0x380, s8;
	s17 =	smul.u32 $0xC00, s27  }
0x73: {  	s30 =	smul.u32 $0xF000, s26;
	s3 =	sadd.s32 s31, s3;
	s7 =	sor.u32 s7, s8  }
.Ltmp6:
0x74: {  	s26 =	sshrl.u32 s7, $0x3;
	s17 =	sadd.s32 s17, s3;
	(pc) =	sbr.rel .LBB1_9-.Ltmp6, $4  }
0x75: {  	s27 =	sand.u32 $0x7, s24;
	s0 =	ssub.s32 s0, s1;
	s1 =	sadd.s32 s30, s17  }
0x76: {  	s28 =	sshll.u32 s27, $0x12;
	s0 =	sshll.u32 s0, $0x7;
	s1 =	sadd.s32 s26, s1  }
0x77: {  	s31 =	simm.s32 $0x168000;
	s30 =	sor.u32 $0x400, s28;
	s0 =	sadd.s32 s0, s1  }
0x78: {  	[hbm4b:s0+s30] =	stream.strided.scatter [tilespmem:s29], [sflag:$0x2], $0x2000, s31, s30, $0x20;
	[tilespmem:$0x8080] =	vst v63  }
.LBB1_10:
0x79: {  	_ =	sfence.sel $0x180000  }
0x7a: {  	s0 =	simm.s32 $0x1;
	[bflag:$0x0] =	sbarrier.arrive $0xFFFF  }
0x7b: {  	s30 =	simm.s32 $0x2;
	[sflag:s0] =	ssyncpa.u1 $0x1  }
0x7c: {  	[sflag:s30] =	ssyncpa.u1 $0x1  }
0x7d: {  	_ =	strace $0x90000047  }
0x7e: {  	s31 =	stileid.u32;
	[bflag:$0x2] =	sbarrier.arrive $0xFFFF  }
0x7f: {  	p0 =	sne.s32 s31, $0x0;
	s0 =	rddreg [dreg:$0x1]  }
0x80: {  	s0 =	sadd.s32 @!p0 $0x100000, s0  }
0x81: {  	[sflag:s0] =	ssyncadd.tile.s32 @!p0 $0x1;
	_ =	shalt  }
.Lfunc_end1:
_tile_overlayer_lowered:
.L_overlay_start_2:
0x82: {  	(tag) =	ssettag $0x2  }
0x83: {  	s0 =	rddreg [dreg:$0x0];
	s2 =	stileid.u32  }
0x84: {  	s1 =	rddreg [dreg:$0x1];
	p0 =	sne.s32 s2, $0x0  }
0x85: {  	s3 =	rddreg [dreg:$0x2];
	[bflag:$0x3] =	sbarrier.arrive $0xFFFF;
	s2 =	simm.s32 @!p0 $0x1C01  }
0x86: {  	[timem:s3], [sflag:s2] =	dma.local @!p0 [hbm:s0], s1  }
0x87: {  	s0 =	simm.s32 @!p0 $0x1  }
0x88: {  	_ =	swait.ge @!p0 [sflag:s0], s1  }
0x89: {  	s1 =	ssub.s32 @!p0 $0x0, s1;
	[sflag:s0] =	ssyncset.done @!p0 $0x0  }
0x8a: {  	[sflag:s0] =	ssyncadd.s32 @!p0 s1  }
0x8b: {  	[bflag:$0x3] =	sbarrier.arrive $0xFFFF  }
0x8c: {  	_ =	shalt  }

// kernel: sparse-core-data-format-call.cloned.1.call-start
scs
called_computation_lowered:
.L_overlay_start_0:
0x0: {  	s1 =	sld [smem:$0x3FD9]  }
0x1: {  	s2 =	sld [smem:$0x3FFE];
	_ =	sdelay $0x1  }
0x2: {  	s3 =	srdreg.scid  }
0x3: {  	s0 =	sand.u32 $0x1, s3  }
0x4: {  	s17 =	sshll.u32 s0, $0xA;
	s1 =	sadd.s32 s2, s1  }
0x5: {  	s1 =	sadd.s32 s1, s17  }
0x6: {  	[smem:$0x3FB2] =	sst s1  }
0x7: {  	_ = 	snop  }
0x8: {  	(tm) =	ssettm $0x1  }
0x9: {  	s18 =	sld [smem:$0x3FFB];
	_ =	sdelay $0x3  }
0xa: {  	_ =	strace s18  }
0xb: {  	s1 =	sld [smem:$0x3FFC];
	_ =	sdelay $0x3  }
0xc: {  	_ =	strace s1  }
0xd: {  	s1 =	sld [smem:$0x3FFD];
	_ =	sdelay $0x3  }
0xe: {  	_ =	strace s1  }
0xf: {  	_ =	strace $0x8FFFFFFF  }
0x10: {  	s19 =	sld [smem:$0x3FDB];
	_ =	sdelay $0x1  }
0x11: {  	s20 =	simm.s32 $_scs_section_size  }
0x12: {  	s4 =	simm.s32 $_size__tile_overlayer_lowered;
	s5 =	simm.s32 $_tile_overlayer_lowered  }
0x13: {  	s23 =	simm.s32 $0x1BFF;
	s22 =	sshll.u32 s5, $0x1;
	s1 =	sadd.s32 s20, s19  }
0x14: {  	s6 =	simm.s32 $0x0;
	s21 =	sshll.u32 s4, $0x1;
	s4 =	sadd.s32 s22, s1  }
0x15: {  	[timem:s6], [sflag:s23] =	dma.local [hbm:s4], s21  }
0x16: {  	_ =	swait.ge [sflag:s23], s21  }
0x17: {  	s2 =	ssub.s32 $0x0, s21;
	[sflag:s23] =	ssyncset.done $0x0  }
0x18: {  	[sflag:s23] =	ssyncadd.s32 s2;
	_ =	sdelay $0x1  }
0x19: {  	s24 =	simm.s32 $0x1B8B  }
0x1a: {  	_ =	swait.ge [sflag:s24], $0x1  }
0x1b: {  	[sflag:s24] =	ssyncset.done $0x0  }
0x1c: {  	s26 =	simm.s32 $0x1B8E;
	s25 =	sld [smem:$0x3FFE];
	[sflag:s24] =	ssyncadd.s32 $0xFFFFFFFF  }
0x1d: {  	s27 =	simm.s32 $execute0_lowered;
	[smem:$0x3FD2] =	sst s26  }
0x1e: {  	s4 =	sshll.u32 s27, $0x1;
	_ =	strace $0x8000004F;
	[dreg:$0x1] =	wrdreg $0xFFFFFFFF  }
0x1f: {  	s28 =	simm.s32 $_size_execute0_lowered;
	s1 =	sadd.s32 s1, s4;
	[dreg:$0x0] =	wrdreg $0x0  }
0x20: {  	s4 =	sshll.u32 s28, $0x1;
	[dreg:$0x2] =	wrdreg s1  }
0x21: {  	[dreg:$0x3] =	wrdreg s4  }
0x22: {  	[dreg:$0x4] =	wrdreg $0xC0  }
0x23: {  	_ =	task [dreg:s6], $0x5FFFF  }
0x24: {  	[dreg:$0x1] =	wrdreg $0xFFFFFFFF  }
0x25: {  	[dreg:$0x0] =	wrdreg $0x60  }
0x26: {  	[dreg:$0x2] =	wrdreg s25  }
0x27: {  	[dreg:$0x3] =	wrdreg $0x9  }
0x28: {  	_ =	task.clear_ibuf [dreg:s6], $0x4FFFF;
	_ =	strace $0x9000004F  }
0x29: {  	s29 =	simm.s32 $0x9;
	_ =	strace $0x80000051  }
0x2a: {  	_ =	swait.ge [sflag:s29], $0x1  }
0x2b: {  	[sflag:s29] =	ssyncadd.s32 $0xFFFFFFFF  }
0x2c: {  	_ =	strace $0x90000051  }
0x2d: {  	_ =	sfence  }
0x2e: {  	s30 =	sld [smem:$0x0];
	_ =	sdelay $0x2  }
0x2f: {  	s31 =	sshll.u32 s3, $0xD;
	s3 =	sshrl.u32 s3, $0x2  }
0x30: {  	s2 =	sand.u32 $0x4000, s31;
	s1 =	sadd.s32 s3, s30  }
0x31: {  	s0 =	sor.u32 s2, s0;
	s1 =	sshll.u32 s1, $0x11  }
0x32: {  	s0 =	sor.u32 s1, s0  }
0x33: {  	s0 =	sadd.s32 $0x8F2B, s0  }
0x34: {  	[sflag:s0] =	ssyncadd.remote.s32 $0x1  }
0x35: {  	_ =	sfence.sel $0xFFFF  }
0x36: {  	[dreg:$0x0] =	wrdreg $0xFFFFFFFF;
	(pc) =	sbr.abs _section_cstart, $3  }
0x37: {  	[dreg:$0x1] =	wrdreg $0xFFFFFFFF  }
0x38: {  	_ =	task.clear_ibuf [dreg:s6], $0x2FFFF;
	_ =	strace $0x9FFFFFFF  }
0x39: {  	(tm) =	ssettm $0x7FFFFFFF  }
tec
execute0_lowered:
.L_overlay_start_1:
0x0: {  	(tag) =	ssettag $0x1  }
0x1: {  	s3 =	rddreg [dreg:$0x0]  }
0x2: {  	s0 =	rddreg [dreg:$0x1]  }
0x3: {  	_ =	strace $0x80000050;
	s4 =	srdreg.scid;
	s1 =	stileid.u32  }
0x4: {  	s6 =	simm.s32 $0x1;
	s9 =	simm.s32 $0x2;
	s16 =	simm.s32 $0x0  }
0x5: {  	p0 =	por $0x0, $0x0;
	s10 =	simm.s32 $0x600;
	s17 =	simm.s32 $0x0  }
0x6: {  	s15 =	simm.s32 $0x0;
	s14 =	simm.s32 $0x0;
	s2 =	sadd.s32 $0x81000, s3  }
.Ltmp0:
0x7: {  	s5 =	sshll.u32 s4, $0x4;
	s3 =	sadd.s32 $0x2DB000, s3;
	(pc) =	sbr.rel .LBB1_1-.Ltmp0, $4  }
0x8: {  	s4 =	sand.u32 $0x7, s1;
	s8 =	sshrl.u32 s1, $0x2;
	s5 =	sand.u32 $0x10, s5  }
0x9: {  	[sflag:s6] =	ssyncpa.u1 $0x0;
	s8 =	sand.u32 $0x2, s8;
	s7 =	ssub.s32 $0x2A0, s5  }
0xa: {  	[sflag:s9] =	ssyncpa.u1 $0x0;
	s13 =	smov.u32 s4;
	s7 =	sshrl.u32 s7, $0x5  }
0xb: {  	s11 =	smov.u32 s5;
	s12 =	smov.u32 s8;
	s9 =	sor.u32 $0x2, s7  }
.LBB1_7:
0xc: {  	s18 =	sadd.s32 $0x20, s11  }
0xd: {  	s15 =	sadd.s32 $0x4, s12;
	s19 =	smov.u32 s12;
	p2 =	sgt.s32 s18, $0x2A9  }
0xe: {  	s19 =	smov.u32 @p2 s15  }
0xf: {  	s21 =	smov.u32 s13;
	s15 =	sadd.s32 $0x8, s13;
	p3 =	sgt.s32 s19, $0x2  }
0x10: {  	s21 =	smov.u32 @p3 s15  }
0x11: {  	s18 =	smov.u32 @p2 s5;
	p2 =	sgt.s32 s21, $0x7  }
0x12: {  	p1 =	slt.u32 s14, $0x2;
	s21 =	smov.u32 @p2 s4;
	p2 =	sne.s32 s14, s9  }
.Ltmp1:
0x13: {  	s20 =	simm.s32 @!p1 $0x2;
	(pc) =	sbr.rel @!p2 .LBB1_8-.Ltmp1, $4  }
0x14: {  	s16 =	smov.u32 s11;
	s17 =	smov.u32 s12;
	_ =	swait.ge @!p1 [sflag:s20], $0x4000  }
0x15: {  	p0 =	por !p0, !p0;
	[sflag:s20] =	ssyncset.done @!p1 $0x0;
	s11 =	smov.u32 s18  }
0x16: {  	s19 =	smov.u32 @p3 s8;
	s15 =	smov.u32 s13;
	[sflag:s20] =	ssyncadd.s32 @!p1 $0xFFFFC000  }
0x17: {  	s12 =	smov.u32 s19;
	s14 =	sadd.s32 $0x1, s14;
	s13 =	smov.u32 s21  }
.LBB1_1:
0x18: {  	p1 =	sgt.u32 s14, s7;
	s19 =	smov.u32 s13;
	s23 =	smov.u32 s11  }
0x19: {  	p2 =	sgt.s32 @!p1 s13, $0x7;
	s18 =	sand.u32 @!p1 $0x3FFFF8, s11;
	s20 =	sshra.s32 @!p1 s13, $0x1F  }
0x1a: {  	s22 =	sshra.s32 @!p1 s12, $0x1F;
	p2 =	por !p2, p1;
	s21 =	smulhi.u32 @!p1 $0x5F417E, s18  }
0x1b: {  	s20 =	sand.u32 @!p1 s20, s13;
	s22 =	sand.u32 @!p1 s22, s12;
	s19 =	simm.s32 @p2 $0x7  }
0x1c: {  	p2 =	sgt.s32 @!p1 s12, $0x1;
	s22 =	sxor.u32 @!p1 $0xFFFFFFFF, s22;
	s19 =	ssub.s32 @!p1 s19, s20  }
0x1d: {  	s20 =	smul.u32 @!p1 $0x2B0, s21;
	p2 =	por !p2, p1;
	s21 =	sadd.s32 @!p1 $0xFFFFFFF9, s19  }
0x1e: {  	s19 =	ssub.s32 @!p1 $0x8, s19;
	p3 =	sgt.s32 @!p1 s21, $0x0;
	s21 =	smov.u32 s12  }
0x1f: {  	s18 =	ssub.s32 @!p1 s18, s20;
	s21 =	simm.s32 @p2 $0x1;
	p2 =	sgt.s32 @!p1 s11, $0x2A0  }
0x20: {  	s20 =	smul.u32 @!p1 $0x20400, s13;
	p3 =	por !p3, p1;
	p2 =	por !p2, p1  }
0x21: {  	s21 =	sadd.s32 @!p1 s22, s21;
	s22 =	sshra.s32 @!p1 s11, $0x1F;
	s23 =	simm.s32 @p2 $0x2A0  }
0x22: {  	p2 =	sgt.s32 @!p1 s21, $0x1;
	s21 =	sshll.u32 @!p1 s21, $0x9;
	s22 =	sand.u32 @!p1 s22, s11  }
0x23: {  	s21 =	ssub.s32 @!p1 $0x400, s21;
	p2 =	por !p2, p1;
	s22 =	ssub.s32 @!p1 s23, s22  }
0x24: {  	s19 =	simm.s32 @!p3 $0x0;
	s21 =	simm.s32 @!p2 $0x0;
	s23 =	sadd.s32 @!p1 $0xFFFFFD60, s22  }
0x25: {  	s19 =	smul.u32 @!p1 s19, s21;
	p2 =	sgt.s32 @!p1 s23, $0xF  }
0x26: {  	s21 =	ssub.s32 @!p1 $0x2B0, s22;
	s22 =	smul.u32 @!p1 $0xAC00, s12;
	p2 =	por !p2, p1  }
0x27: {  	s20 =	sadd.s32 @!p1 s2, s20;
	s23 =	sshll.u32 @!p1 s11, $0x3;
	s21 =	simm.s32 @!p2 $0x0  }
0x28: {  	s20 =	sadd.s32 @!p1 s22, s20;
	s19 =	smul.u32 @!p1 s21, s19;
	s21 =	sand.u32 @!p1 $0x30, s23  }
0x29: {  	s18 =	sshll.u32 @!p1 s18, $0x6;
	s22 =	sxor.u32 @!p1 $0xFFFFFFFF, s14;
	s20 =	sadd.s32 @!p1 s21, s20  }
0x2a: {  	s21 =	simm.s32 @!p1 $0x2000;
	s18 =	sadd.s32 @!p1 s18, s20;
	s20 =	sshll.u32 @!p1 s22, $0xE  }
0x2b: {  	s19 =	sand.u32 @!p1 $0x3FFFFE00, s19;
	s22 =	simm.s32 @!p1 $0x56000;
	s20 =	sand.u32 @!p1 $0x4000, s20  }
0x2c: {  	[tilespmem:s20], [sflag:$0x1] =	stream.strided.gather @!p1 [hbm4b:s18+s21], s19, s22, s21, $0x38;
	[tilespmem:$0x10800] =	vst v63  }
0x2d: {  	p1 =	seq.s32 s14, $0x0  }
0x2e: {  	p2 =	sge.u32 @!p1 s14, s9  }
0x2f: {  	p1 =	por p1, p2  }
.Ltmp2:
0x30: {  	_ = 	snop;
	(pc) =	sbr.rel @p1 .LBB1_7-.Ltmp2, $1  }
0x31: {  	_ =	sdelay $0x3  }
0x32: {  	p1 =	sgt.s32 s15, $0x7;
	s18 =	smov.u32 s15;
	s19 =	sshra.s32 s15, $0x1F  }
0x33: {  	s20 =	simm.s32 $0x1;
	s18 =	simm.s32 @!p1 $0x7;
	s19 =	sand.u32 s19, s15  }
0x34: {  	s21 =	sshra.s32 s17, $0x1F;
	p2 =	sgt.s32 s17, $0x1;
	s18 =	ssub.s32 s18, s19  }
0x35: {  	s22 =	sshra.s32 s16, $0x1F;
	s20 =	simm.s32 @!p0 $0x0;
	s19 =	sadd.s32 $0xFFFFFFF9, s18  }
0x36: {  	s21 =	sand.u32 s21, s17;
	p1 =	sgt.s32 s19, $0x0;
	s19 =	smov.u32 s17  }
0x37: {  	s22 =	sand.u32 s22, s16;
	s21 =	sxor.u32 $0xFFFFFFFF, s21;
	s19 =	simm.s32 @!p2 $0x1  }
0x38: {  	p2 =	sgt.s32 s16, $0x2A0;
	s19 =	sadd.s32 s21, s19;
	s21 =	smov.u32 s16  }
0x39: {  	s18 =	ssub.s32 $0x8, s18;
	s21 =	simm.s32 @!p2 $0x2A0;
	s23 =	sshll.u32 s19, $0x9  }
0x3a: {  	p2 =	sgt.s32 s19, $0x1;
	s26 =	ssub.s32 s21, s22;
	s21 =	ssub.s32 $0x400, s23  }
0x3b: {  	s18 =	simm.s32 @p1 $0x0;
	s22 =	sadd.s32 $0xFFFFFD60, s26;
	s21 =	simm.s32 @p2 $0x0  }
0x3c: {  	s19 =	ssub.s32 $0x2B0, s26;
	p1 =	sgt.s32 s22, $0xF;
	s18 =	smul.u32 s18, s21  }
0x3d: {  	s27 =	smul.u32 $0x11000, s20;
	s20 =	sshll.u32 s20, $0x10;
	s19 =	simm.s32 @p1 $0x0  }
0x3e: {  	s20 =	sshrl.u32 s20, $0x2;
	s18 =	smul.u32 s19, s18  }
0x3f: {  	s29 =	sand.u32 $0x1, s14;
	s28 =	sshrl.u32 s27, $0x2;
	s20 =	sadd.s32 $0x2000, s20  }
0x40: {  	s23 =	simm.s32 $0x0;
	s21 =	smul.u32 $0x11000, s29;
	s18 =	sand.u32 $0x3FFFFE00, s18  }
0x41: {  	s22 =	simm.s32 $0x0;
	s19 =	sor.u32 $0x8000, s28;
	_ =	swait.ge [sflag:s6], s18  }
0x42: {  	s31 =	sshrl.u32 s21, $0x2;
	s30 =	ssub.s32 $0x0, s18;
	[sflag:s6] =	ssyncset.done $0x0  }
0x43: {  	s21 =	simm.s32 $0x0;
	s18 =	sor.u32 $0x8000, s31;
	[sflag:s6] =	ssyncadd.s32 s30  }
.LBB1_3:
0x44: {  	s24 =	sshll.u32 s22, $0x2;
	s25 =	sand.u32 $0x3, s21  }
0x45: {  	s24 =	sand.u32 $0xFFFFC000, s24;
	s25 =	sshll.u32 s25, $0x9  }
0x46: {  	s24 =	sor.u32 s25, s24  }
0x47: {  	s24 =	sshrl.u32 s24, $0x2  }
0x48: {  	s24 =	sadd.s32 s24, s20  }
0x49: {  	v0 =	vld [tilespmem:s24+$0xFFFFE070]  }
0x4a: {  	v1 =	vld [tilespmem:s24+$0x70]  }
0x4b: {  	v2 =	vld [tilespmem:s24+$0x0]  }
0x4c: {  	v3 =	vld [tilespmem:s24+$0xFFFFE010]  }
0x4d: {  	v5 =	vld [tilespmem:s24+$0xFFFFE020]  }
0x4e: {  	v4 =	vld [tilespmem:s24+$0x10]  }
0x4f: {  	v6 =	vld [tilespmem:s24+$0x20]  }
0x50: {  	v9 =	vld [tilespmem:s24+$0xFFFFE030];
	v7 =	vunpack.i.l.s16.s32 v0;
	v8 =	vunpack.i.l.s16.s32 v1  }
0x51: {  	v10 =	vunpack.i.u.s16.s32 v0;
	v11 =	vunpack.i.u.s16.s32 v1;
	v0 =	vunpack.i.u.s16.s32 v2  }
0x52: {  	v1 =	vunpack.i.l.s16.s32 v2;
	v2 =	vld [tilespmem:s24+$0x30];
	v13 =	vunpack.i.u.s16.s32 v5;
	v14 =	vunpack.i.l.s16.s32 v5  }
0x53: {  	v12 =	vld [tilespmem:s24+$0xFFFFE040];
	v7 =	vpack.i.b32.b16 v8, v7;
	v8 =	vpack.i.b32.b16 v11, v10;
	v10 =	vunpack.i.u.s16.s32 v3  }
0x54: {  	v15 =	vld [tilespmem:s24+$0x40];
	v3 =	vunpack.i.l.s16.s32 v3;
	v11 =	vunpack.i.u.s16.s32 v4;
	v4 =	vunpack.i.l.s16.s32 v4;
	[tilespmem:s19+$0x770 ss:$0x11] =	vst.msk $0xffff, v7  }
0x55: {  	v4 =	vpack.i.b32.b16 v4, v3;
	v3 =	vld [tilespmem:s24+$0xFFFFE050];
	v7 =	vunpack.i.u.s16.s32 v9;
	[tilespmem:s19+$0x771 ss:$0x11] =	vst.msk $0xffff, v8;
	v8 =	vunpack.i.u.s16.s32 v6  }
0x56: {  	v5 =	vld [tilespmem:s24+$0x50];
	v6 =	vunpack.i.l.s16.s32 v6;
	[tilespmem:s19+$0x110 ss:$0x11] =	vst.msk $0xffff, v4;
	v4 =	vpack.i.b32.b16 v11, v10;
	v11 =	vunpack.i.l.s16.s32 v9  }
0x57: {  	[tilespmem:s19+$0x111 ss:$0x11] =	vst.msk $0xffff, v4;
	v4 =	vpack.i.b32.b16 v6, v14;
	v9 =	vunpack.i.u.s16.s32 v2;
	v14 =	vunpack.i.l.s16.s32 v2;
	v2 =	vld [tilespmem:s24+$0xFFFFE060]  }
0x58: {  	s26 =	simm.s32 $0x0;
	v10 =	vunpack.i.l.s16.s32 v12;
	v13 =	vpack.i.b32.b16 v8, v13;
	v8 =	vunpack.i.u.s16.s32 v12;
	[tilespmem:s19+$0x220 ss:$0x11] =	vst.msk $0xffff, v4;
	v4 =	vld [tilespmem:s24+$0x60]  }
0x59: {  	s25 =	smov.u32 s19;
	s27 =	sadd.s32 $0x200, s24;
	v6 =	vld [tilespmem:s24+$0xFFFFE000];
	v12 =	vunpack.i.l.s16.s32 v15;
	s24 =	smov.u32 s19;
	[tilespmem:s19+$0x221 ss:$0x11] =	vst.msk $0xffff, v13;
	v13 =	vpack.i.b32.b16 v14, v11;
	v11 =	vunpack.i.u.s16.s32 v15  }
.LBB1_4:
0x5a: {  	v14 =	vld [tilespmem:s27+$0xFFFFE070];
	[tilespmem:s25+$0x330 ss:$0x11] =	vst.msk $0xffff, v13;
	v7 =	vpack.i.b32.b16 v9, v7;
	v9 =	vunpack.i.u.s16.s32 v3;
	v3 =	vunpack.i.l.s16.s32 v3  }
0x5b: {  	v13 =	vld [tilespmem:s27+$0x70];
	[tilespmem:s25+$0x331 ss:$0x11] =	vst.msk $0xffff, v7;
	v7 =	vpack.i.b32.b16 v12, v10;
	v10 =	vunpack.i.u.s16.s32 v5;
	v5 =	vunpack.i.l.s16.s32 v5  }
0x5c: {  	s26 =	sadd.s32 $0x80, s26;
	v12 =	vld [tilespmem:s27+$0x0];
	[tilespmem:s25+$0x440 ss:$0x11] =	vst.msk $0xffff, v7;
	v7 =	vpack.i.b32.b16 v11, v8;
	v8 =	vunpack.i.u.s16.s32 v2;
	v2 =	vunpack.i.l.s16.s32 v2  }
0x5d: {  	p1 =	slt.u32 s26, $0x380;
	v3 =	vpack.i.b32.b16 v5, v3;
	v11 =	vld [tilespmem:s27+$0xFFFFE010];
	[tilespmem:s25+$0x441 ss:$0x11] =	vst.msk $0xffff, v7;
	v5 =	vunpack.i.u.s16.s32 v4;
	v4 =	vunpack.i.l.s16.s32 v4  }
0x5e: {  	v7 =	vld [tilespmem:s27+$0x10];
	v15 =	vunpack.i.u.s16.s32 v6;
	v6 =	vunpack.i.l.s16.s32 v6;
	[tilespmem:s25+$0x550 ss:$0x11] =	vst.msk $0xffff, v3;
	v3 =	vpack.i.b32.b16 v10, v9  }
0x5f: {  	v2 =	vpack.i.b32.b16 v4, v2;
	v9 =	vld [tilespmem:s27+$0xFFFFE020];
	v1 =	vpack.i.b32.b16 v1, v6;
	v0 =	vpack.i.b32.b16 v0, v15;
	[tilespmem:s25+$0x551 ss:$0x11] =	vst.msk $0xffff, v3  }
0x60: {  	v5 =	vpack.i.b32.b16 v5, v8;
	v4 =	vunpack.i.l.s16.s32 v14;
	v3 =	vld [tilespmem:s27+$0x20];
	v6 =	vunpack.i.l.s16.s32 v13;
	[tilespmem:s25+$0x0 ss:$0x11] =	vst.msk $0xffff, v1  }
0x61: {  	v10 =	vunpack.i.u.s16.s32 v14;
	v13 =	vunpack.i.u.s16.s32 v13;
	s25 =	sadd.s32 $0x880, s25;
	v8 =	vld [tilespmem:s27+$0xFFFFE030];
	v4 =	vpack.i.b32.b16 v6, v4;
	[tilespmem:s24+$0x1 ss:$0x11] =	vst.msk $0xffff, v0  }
0x62: {  	v0 =	vunpack.i.u.s16.s32 v12;
	v1 =	vunpack.i.l.s16.s32 v12;
	v6 =	vld [tilespmem:s27+$0x30];
	[tilespmem:s25+$0x770 ss:$0x11] =	vst.msk $0xffff, v4;
	v4 =	vpack.i.b32.b16 v13, v10  }
0x63: {  	v10 =	vunpack.i.u.s16.s32 v11;
	v11 =	vunpack.i.l.s16.s32 v11;
	v12 =	vunpack.i.u.s16.s32 v7;
	v13 =	vld [tilespmem:s27+$0xFFFFE040];
	[tilespmem:s25+$0x771 ss:$0x11] =	vst.msk $0xffff, v4  }
0x64: {  	v4 =	vunpack.i.l.s16.s32 v7;
	v14 =	vunpack.i.u.s16.s32 v9;
	v9 =	vunpack.i.l.s16.s32 v9;
	v15 =	vld [tilespmem:s27+$0x40];
	[tilespmem:s24+$0x660 ss:$0x11] =	vst.msk $0xffff, v2  }
.Ltmp3:
0x65: {  	v2 =	vpack.i.b32.b16 v4, v11;
	v4 =	vunpack.i.u.s16.s32 v3;
	v11 =	vunpack.i.l.s16.s32 v3;
	v3 =	vld [tilespmem:s27+$0xFFFFE050];
	[tilespmem:s24+$0x661 ss:$0x11] =	vst.msk $0xffff, v5;
	s24 =	smov.u32 s25;
	(pc) =	sbr.rel @p1 .LBB1_4-.Ltmp3, $4  }
0x66: {  	[tilespmem:s25+$0x110 ss:$0x11] =	vst.msk $0xffff, v2;
	v2 =	vpack.i.b32.b16 v12, v10;
	v7 =	vunpack.i.u.s16.s32 v8;
	v12 =	vunpack.i.l.s16.s32 v8;
	v5 =	vld [tilespmem:s27+$0x50]  }
0x67: {  	v8 =	vpack.i.b32.b16 v11, v9;
	[tilespmem:s25+$0x111 ss:$0x11] =	vst.msk $0xffff, v2;
	v9 =	vunpack.i.u.s16.s32 v6;
	v11 =	vunpack.i.l.s16.s32 v6;
	v2 =	vld [tilespmem:s27+$0xFFFFE060]  }
0x68: {  	v14 =	vpack.i.b32.b16 v4, v14;
	[tilespmem:s25+$0x220 ss:$0x11] =	vst.msk $0xffff, v8;
	v8 =	vunpack.i.u.s16.s32 v13;
	v10 =	vunpack.i.l.s16.s32 v13;
	v4 =	vld [tilespmem:s27+$0x60]  }
0x69: {  	v13 =	vpack.i.b32.b16 v11, v12;
	v6 =	vld [tilespmem:s27+$0xFFFFE000];
	[tilespmem:s25+$0x221 ss:$0x11] =	vst.msk $0xffff, v14;
	v11 =	vunpack.i.u.s16.s32 v15;
	v12 =	vunpack.i.l.s16.s32 v15;
	s27 =	sadd.s32 $0x200, s27  }
0x6a: {  	[tilespmem:s25+$0x330 ss:$0x11] =	vst.msk $0xffff, v13;
	v7 =	vpack.i.b32.b16 v9, v7  }
0x6b: {  	v50 =	vpack.i.b32.b16 v12, v10;
	[tilespmem:s25+$0x331 ss:$0x11] =	vst.msk $0xffff, v7  }
0x6c: {  	v51 =	vunpack.i.l.s16.s32 v3;
	v53 =	vpack.i.b32.b16 v11, v8;
	v52 =	vunpack.i.l.s16.s32 v5;
	[tilespmem:s25+$0x440 ss:$0x11] =	vst.msk $0xffff, v50  }
0x6d: {  	v54 =	vunpack.i.u.s16.s32 v3;
	v55 =	vunpack.i.u.s16.s32 v5;
	[tilespmem:s25+$0x441 ss:$0x11] =	vst.msk $0xffff, v53;
	v56 =	vpack.i.b32.b16 v52, v51  }
0x6e: {  	p1 =	slt.u32 s23, $0xE;
	v3 =	vpack.i.b32.b16 v55, v54;
	v59 =	vunpack.i.l.s16.s32 v2;
	[tilespmem:s25+$0x550 ss:$0x11] =	vst.msk $0xffff, v56;
	v60 =	vunpack.i.l.s16.s32 v4  }
.Ltmp4:
0x6f: {  	v57 =	vunpack.i.l.s16.s32 v6;
	[tilespmem:s25+$0x551 ss:$0x11] =	vst.msk $0xffff, v3;
	v3 =	vpack.i.b32.b16 v60, v59;
	(pc) =	sbr.rel @p1 .LBB1_3-.Ltmp4, $4  }
0x70: {  	v61 =	vunpack.i.u.s16.s32 v2;
	v62 =	vunpack.i.u.s16.s32 v4;
	v1 =	vpack.i.b32.b16 v1, v57;
	[tilespmem:s24+$0x660 ss:$0x11] =	vst.msk $0xffff, v3  }
0x71: {  	v58 =	vunpack.i.u.s16.s32 v6;
	v63 =	vpack.i.b32.b16 v62, v61;
	[tilespmem:s25+$0x0 ss:$0x11] =	vst.msk $0xffff, v1  }
0x72: {  	s31 =	sadd.s32 $0x2, s23;
	s19 =	sadd.s32 $0x2, s19;
	v0 =	vpack.i.b32.b16 v0, v58;
	[tilespmem:s24+$0x661 ss:$0x11] =	vst.msk $0xffff, v63  }
0x73: {  	s22 =	sadd.s32 $0x400, s22;
	s21 =	sadd.s32 $0x1, s21;
	s23 =	smov.u32 s31;
	[tilespmem:s24+$0x1 ss:$0x11] =	vst.msk $0xffff, v0  }
0x74: {  	s19 =	sshrl.u32 s17, $0x2  }
0x75: {  	s20 =	sand.u32 $0x1, s17;
	s21 =	sshll.u32 s16, $0x2;
	s19 =	smul.u32 $0xC00, s19  }
0x76: {  	s27 =	sshll.u32 s17, $0x7;
	s28 =	sshll.u32 s16, $0x1;
	s21 =	sand.u32 $0xFFFFFE00, s21  }
0x77: {  	s17 =	sand.u32 $0x100, s27;
	s16 =	sand.u32 $0xFE, s28;
	s19 =	sadd.s32 s19, s21  }
0x78: {  	s16 =	sor.u32 s20, s16;
	s17 =	sor.u32 s17, s19  }
0x79: {  	s16 =	sor.u32 s17, s16;
	s17 =	smulhi.u32 $0xAAAAAAAB, s17  }
0x7a: {  	s29 =	smulhi.u32 $0xAAAAAAAB, s16;
	_ =	sdelay $0x1  }
0x7b: {  	s15 =	smul.u32 $0x30000, s15;
	s17 =	sshrl.u32 s17, $0x9;
	s19 =	sshrl.u32 s29, $0x9  }
0x7c: {  	s17 =	sand.u32 $0x3, s17;
	s19 =	smul.u32 $0x300, s19  }
0x7d: {  	s17 =	smul.u32 $0x30, s17  }
.Ltmp5:
0x7e: {  	s16 =	ssub.s32 s16, s19;
	(pc) =	sbr.rel .LBB1_7-.Ltmp5, $4  }
0x7f: {  	s15 =	sadd.s32 s3, s15;
	s19 =	sshll.u32 s16, $0x11  }
0x80: {  	s15 =	sadd.s32 s17, s15;
	s16 =	sshrl.u32 s16, $0x4;
	s30 =	sand.u32 $0x1C0000, s19  }
0x81: {  	s15 =	sadd.s32 s16, s15;
	s31 =	sor.u32 $0x10, s30  }
0x82: {  	[hbm4b:s15+s31] =	stream.strided.scatter [tilespmem:s18], [sflag:$0x2], $0x4000, s10, s31, $0x8;
	[tilespmem:$0x10800] =	vst v63  }
.LBB1_8:
0x83: {  	_ =	sfence.sel $0x180000  }
0x84: {  	s2 =	simm.s32 $0x1;
	[bflag:$0x0] =	sbarrier.arrive $0xFFFF  }
0x85: {  	s31 =	simm.s32 $0x2;
	[sflag:s2] =	ssyncpa.u1 $0x1  }
0x86: {  	[sflag:s31] =	ssyncpa.u1 $0x1  }
0x87: {  	p0 =	sne.s32 s1, $0x0;
	_ =	strace $0x90000050  }
0x88: {  	s0 =	sadd.s32 @!p0 $0x100000, s0;
	[bflag:$0x2] =	sbarrier.arrive $0xFFFF  }
0x89: {  	[sflag:s0] =	ssyncadd.tile.s32 @!p0 $0x1;
	_ =	shalt  }
.Lfunc_end1:
_tile_overlayer_lowered:
.L_overlay_start_2:
0x8a: {  	(tag) =	ssettag $0x2  }
0x8b: {  	s0 =	rddreg [dreg:$0x0];
	s2 =	stileid.u32  }
0x8c: {  	s1 =	rddreg [dreg:$0x1];
	p0 =	sne.s32 s2, $0x0  }
0x8d: {  	s3 =	rddreg [dreg:$0x2];
	[bflag:$0x3] =	sbarrier.arrive $0xFFFF;
	s2 =	simm.s32 @!p0 $0x1C01  }
0x8e: {  	[timem:s3], [sflag:s2] =	dma.local @!p0 [hbm:s0], s1  }
0x8f: {  	s0 =	simm.s32 @!p0 $0x1  }
0x90: {  	_ =	swait.ge @!p0 [sflag:s0], s1  }
0x91: {  	s1 =	ssub.s32 @!p0 $0x0, s1;
	[sflag:s0] =	ssyncset.done @!p0 $0x0  }
0x92: {  	[sflag:s0] =	ssyncadd.s32 @!p0 s1  }
0x93: {  	[bflag:$0x3] =	sbarrier.arrive $0xFFFF  }
0x94: {  	_ =	shalt  }

</sc_bundles>
